<compile_context>
chip_gen: v7x
topology: tpu7x:2x2x1
jax: 0.10.2.dev20260603
libtpu: 0.0.44.dev20260713+nightly
codegen_flags: <defaults>
</compile_context>

<pallas_src>
import jax
import jax.numpy as jnp
from jax import lax
from jax.experimental import pallas as pl
from jax.experimental.pallas import tpu as pltpu
from jax.experimental.pallas import tpu_sc as plsc

NC = 2
NS = 16
L = 16
NW = NC * NS
ROWS = 128
COLS = 32768
SC_RPW = 2
SC_WORKERS = 24
SC_ROWS = SC_WORKERS * SC_RPW
TC_ROWS = ROWS - SC_ROWS
P = 4
PSZ = COLS // P
U = 8
NIT_P = PSZ // (U * L)
BIG = 2**31 - 1

TC_BR = 16
TC_U = 4
TC_NIT = COLS // (TC_U * 128)


def _sc_row_argmax(in_hbm, row, buf, sems):
    iota = lax.iota(jnp.int32, L)
    maxs = tuple(jnp.full((L,), -jnp.inf, jnp.float32) for _ in range(U))
    blks = tuple(jnp.zeros((L,), jnp.int32) for _ in range(U))

    def step(i, carry):
        maxs, blks = carry
        base = i * (U * L)
        new_maxs = []
        new_blks = []
        for u in range(U):
            chunk = buf[pl.ds(base + u * L, L)]
            m = chunk > maxs[u]
            new_maxs.append(jnp.where(m, chunk, maxs[u]))
            new_blks.append(jnp.where(m, i, blks[u]))
        return tuple(new_maxs), tuple(new_blks)

    for p in range(P):
        pltpu.make_async_copy(
            in_hbm.at[row, pl.ds(p * PSZ, PSZ)],
            buf.at[pl.ds(p * PSZ, PSZ)],
            sems[p],
        ).wait()
        maxs, blks = lax.fori_loop(p * NIT_P, (p + 1) * NIT_P, step, (maxs, blks))

    vmax = maxs[0]
    vpos = blks[0] * (U * L) + iota
    for u in range(1, U):
        pu = blks[u] * (U * L) + (u * L) + iota
        better = (maxs[u] > vmax) | ((maxs[u] == vmax) & (pu < vpos))
        vmax = jnp.where(better, maxs[u], vmax)
        vpos = jnp.where(better, pu, vpos)

    gmax = jnp.max(vmax)
    cand = jnp.where(vmax == gmax, vpos, BIG)
    return jnp.min(cand)


def _sc_start_row(in_hbm, row, buf, sems):
    for p in range(P):
        pltpu.make_async_copy(
            in_hbm.at[row, pl.ds(p * PSZ, PSZ)],
            buf.at[pl.ds(p * PSZ, PSZ)],
            sems[p],
        ).start()


def _sc_body(in_hbm, out_hbm, buf0, buf1, res_buf, *sems8):
    wid = lax.axis_index("s") * NC + lax.axis_index("c")
    row0 = TC_ROWS + wid * SC_RPW

    bufs = (buf0, buf1)
    sems = (sems8[0:P], sems8[P:2 * P])

    @pl.when(wid < SC_WORKERS)
    def _():
        _sc_start_row(in_hbm, row0, buf0, sems[0])

        res = jnp.zeros((L,), jnp.int32)
        iota = lax.iota(jnp.int32, L)
        for r in range(SC_RPW):
            if r + 1 < SC_RPW:
                _sc_start_row(in_hbm, row0 + r + 1, bufs[(r + 1) % 2], sems[(r + 1) % 2])
            idx = _sc_row_argmax(in_hbm, row0 + r, bufs[r % 2], sems[r % 2])
            res = jnp.where(iota == r, idx, res)

        res_buf[...] = res
        pltpu.sync_copy(res_buf, out_hbm.at[wid])


def _tc_body(x_ref, o_ref):
    shape = (TC_BR, 128)
    init_max = tuple(jnp.full(shape, -jnp.inf, jnp.float32) for _ in range(TC_U))
    init_blk = tuple(jnp.zeros(shape, jnp.int32) for _ in range(TC_U))

    def step(i, carry):
        maxs, blks = carry
        base = i * (TC_U * 128)
        new_maxs = []
        new_blks = []
        for u in range(TC_U):
            chunk = x_ref[:, pl.ds(base + u * 128, 128)]
            m = chunk > maxs[u]
            new_maxs.append(jnp.where(m, chunk, maxs[u]))
            new_blks.append(jnp.where(m, i, blks[u]))
        return tuple(new_maxs), tuple(new_blks)

    maxs, blks = lax.fori_loop(0, TC_NIT, step, (init_max, init_blk))

    lane = lax.broadcasted_iota(jnp.int32, shape, 1)
    vmax = maxs[0]
    vpos = blks[0] * (TC_U * 128) + lane
    for u in range(1, TC_U):
        pu = blks[u] * (TC_U * 128) + (u * 128) + lane
        better = (maxs[u] > vmax) | ((maxs[u] == vmax) & (pu < vpos))
        vmax = jnp.where(better, maxs[u], vmax)
        vpos = jnp.where(better, pu, vpos)

    gmax = jnp.max(vmax, axis=1, keepdims=True)
    idx = jnp.min(jnp.where(vmax == gmax, vpos, BIG), axis=1, keepdims=True)
    o_ref[...] = jnp.broadcast_to(idx, shape)


@jax.jit
def kernel(input):
    mesh = plsc.VectorSubcoreMesh(core_axis_name="c", subcore_axis_name="s")
    sc = pl.kernel(
        _sc_body,
        out_type=jax.ShapeDtypeStruct((SC_WORKERS, L), jnp.int32),
        mesh=mesh,
        scratch_types=[
            pltpu.VMEM((COLS,), jnp.float32),
            pltpu.VMEM((COLS,), jnp.float32),
            pltpu.VMEM((L,), jnp.int32),
        ] + [pltpu.SemaphoreType.DMA] * (2 * P),
        compiler_params=pltpu.CompilerParams(needs_layout_passes=False),
    )
    sc_packed = sc(input)

    tc = pl.pallas_call(
        _tc_body,
        grid=(TC_ROWS // TC_BR,),
        in_specs=[pl.BlockSpec((TC_BR, COLS), lambda i: (i, 0))],
        out_specs=pl.BlockSpec((TC_BR, 128), lambda i: (i, 0)),
        out_shape=jax.ShapeDtypeStruct((TC_ROWS, 128), jnp.int32),
    )
    tc_packed = tc(input)

    tc_out = tc_packed[:, 0]
    sc_out = sc_packed[:, :SC_RPW].reshape(SC_ROWS)
    return jnp.concatenate([tc_out, sc_out])

# --- scband reference (transcript-rebuilt; emitter-appended) ---
"""Pipeline reference for scband-argmax-71012989272390 (READ-ONLY COPY).

The authoritative reference and input builder live on the scoring server;
editing this copy changes nothing except your own understanding.
"""

import jax, jax.numpy as jnp
import numpy as np


def setup_inputs(seed: int = 0) -> dict:
    key = jax.random.key(seed)
    input = jax.random.normal(key, (128, 32768), dtype=jnp.float32)
    return {"input": input}


def reference(input):
    # torch.argmax(input, dim=1) -> jnp.argmax over axis 1
    return jnp.argmax(input, axis=1)

if __name__ == "__main__":
    import jax
    _d = setup_inputs()
    print(jax.jit(kernel)(*tuple(_d.values())))

</pallas_src>

<mosaic_0001>
#map = affine_map<(d0, d1) -> (0, 0)>
module attributes {stable_mosaic.version = 14 : i64} {
  func.func @_sc_body(%arg0: i32, %arg1: i32, %arg2: memref<128x32768xf32, #tpu.memory_space<hbm>>, %arg3: memref<24x16xi32, #tpu.memory_space<hbm>>, %arg4: memref<32768xf32, #tpu.memory_space<vmem>>, %arg5: memref<32768xf32, #tpu.memory_space<vmem>>, %arg6: memref<16xi32, #tpu.memory_space<vmem>>, %arg7: memref<!tpu.dma_semaphore, #tpu.memory_space<semaphore_mem>>, %arg8: memref<!tpu.dma_semaphore, #tpu.memory_space<semaphore_mem>>, %arg9: memref<!tpu.dma_semaphore, #tpu.memory_space<semaphore_mem>>, %arg10: memref<!tpu.dma_semaphore, #tpu.memory_space<semaphore_mem>>, %arg11: memref<!tpu.dma_semaphore, #tpu.memory_space<semaphore_mem>>, %arg12: memref<!tpu.dma_semaphore, #tpu.memory_space<semaphore_mem>>, %arg13: memref<!tpu.dma_semaphore, #tpu.memory_space<semaphore_mem>>, %arg14: memref<!tpu.dma_semaphore, #tpu.memory_space<semaphore_mem>>) attributes {dimension_semantics = [#tpu.dimension_semantics<core_parallel>, #tpu.dimension_semantics<subcore_parallel>], iteration_bounds = array<i64: 2, 16>, scalar_prefetch = 0 : i64, scratch_operands = 11 : i64, tpu.core_type = #tpu.core_type<sc_vector_subcore>, window_params = [{transform_indices = #map}, {transform_indices = #map}]} {
    %mul3A = arith.constant 2 : i32
    %mul3A_0 = arith.muli %arg1, %mul3A : i32
    %add3A = arith.addi %mul3A_0, %arg0 : i32
    %mul3A_1 = arith.constant 2 : i32
    %mul3A_2 = arith.muli %add3A, %mul3A_1 : i32
    %add3A_3 = arith.constant 80 : i32
    %add3A_4 = arith.addi %add3A_3, %mul3A_2 : i32
    %lt3A = arith.constant 24 : i32
    %lt3A_5 = arith.cmpi slt, %add3A, %lt3A : i32
    %convert_element_type3A = arith.extui %lt3A_5 : i1 to i32
    %cond3A = arith.constant 0 : i32
    %cond3A_6 = arith.cmpi ne, %convert_element_type3A, %cond3A : i32
    scf.if %cond3A_6 {
      %dma_start3A = arith.constant 0 : i32
      %dma_start3A_7 = tpu.memref_slice %arg4[%dma_start3A] : memref<32768xf32, #tpu.memory_space<vmem>> -> memref<8192xf32, #tpu.memory_space<vmem>>
      %dma_start3A_8 = arith.constant 0 : i32
      %dma_start3A_9 = tpu.memref_slice %arg2[%add3A_4, %dma_start3A_8] : memref<128x32768xf32, #tpu.memory_space<hbm>> -> memref<1x8192xf32, #tpu.memory_space<hbm>>
      %dma_start3A_10 = tpu.memref_squeeze %dma_start3A_9 : memref<1x8192xf32, #tpu.memory_space<hbm>> -> memref<8192xf32, #tpu.memory_space<hbm>>
      %dma_start3A_11 = arith.constant 0 : i32
      %dma_start3A_12 = tpu.memref_slice %arg4[%dma_start3A_11] : memref<32768xf32, #tpu.memory_space<vmem>> -> memref<8192xf32, #tpu.memory_space<vmem>>
      %dma_start3A_13 = arith.constant 0 : i32
      %dma_start3A_14 = tpu.memref_slice %arg2[%add3A_4, %dma_start3A_13] : memref<128x32768xf32, #tpu.memory_space<hbm>> -> memref<1x8192xf32, #tpu.memory_space<hbm>>
      %dma_start3A_15 = tpu.memref_squeeze %dma_start3A_14 : memref<1x8192xf32, #tpu.memory_space<hbm>> -> memref<8192xf32, #tpu.memory_space<hbm>>
      tpu.enqueue_dma source(%dma_start3A_15 : memref<8192xf32, #tpu.memory_space<hbm>>) target(%dma_start3A_12 : memref<8192xf32, #tpu.memory_space<vmem>>) target_semaphore(%arg7 : memref<!tpu.dma_semaphore, #tpu.memory_space<semaphore_mem>>)
      %dma_start3A_16 = arith.constant 8192 : i32
      %dma_start3A_17 = tpu.memref_slice %arg4[%dma_start3A_16] : memref<32768xf32, #tpu.memory_space<vmem>> -> memref<8192xf32, #tpu.memory_space<vmem>>
      %dma_start3A_18 = arith.constant 8192 : i32
      %dma_start3A_19 = tpu.memref_slice %arg2[%add3A_4, %dma_start3A_18] : memref<128x32768xf32, #tpu.memory_space<hbm>> -> memref<1x8192xf32, #tpu.memory_space<hbm>>
      %dma_start3A_20 = tpu.memref_squeeze %dma_start3A_19 : memref<1x8192xf32, #tpu.memory_space<hbm>> -> memref<8192xf32, #tpu.memory_space<hbm>>
      %dma_start3A_21 = arith.constant 8192 : i32
      %dma_start3A_22 = tpu.memref_slice %arg4[%dma_start3A_21] : memref<32768xf32, #tpu.memory_space<vmem>> -> memref<8192xf32, #tpu.memory_space<vmem>>
      %dma_start3A_23 = arith.constant 8192 : i32
      %dma_start3A_24 = tpu.memref_slice %arg2[%add3A_4, %dma_start3A_23] : memref<128x32768xf32, #tpu.memory_space<hbm>> -> memref<1x8192xf32, #tpu.memory_space<hbm>>
      %dma_start3A_25 = tpu.memref_squeeze %dma_start3A_24 : memref<1x8192xf32, #tpu.memory_space<hbm>> -> memref<8192xf32, #tpu.memory_space<hbm>>
      tpu.enqueue_dma source(%dma_start3A_25 : memref<8192xf32, #tpu.memory_space<hbm>>) target(%dma_start3A_22 : memref<8192xf32, #tpu.memory_space<vmem>>) target_semaphore(%arg8 : memref<!tpu.dma_semaphore, #tpu.memory_space<semaphore_mem>>)
      %dma_start3A_26 = arith.constant 16384 : i32
      %dma_start3A_27 = tpu.memref_slice %arg4[%dma_start3A_26] : memref<32768xf32, #tpu.memory_space<vmem>> -> memref<8192xf32, #tpu.memory_space<vmem>>
      %dma_start3A_28 = arith.constant 16384 : i32
      %dma_start3A_29 = tpu.memref_slice %arg2[%add3A_4, %dma_start3A_28] : memref<128x32768xf32, #tpu.memory_space<hbm>> -> memref<1x8192xf32, #tpu.memory_space<hbm>>
      %dma_start3A_30 = tpu.memref_squeeze %dma_start3A_29 : memref<1x8192xf32, #tpu.memory_space<hbm>> -> memref<8192xf32, #tpu.memory_space<hbm>>
      %dma_start3A_31 = arith.constant 16384 : i32
      %dma_start3A_32 = tpu.memref_slice %arg4[%dma_start3A_31] : memref<32768xf32, #tpu.memory_space<vmem>> -> memref<8192xf32, #tpu.memory_space<vmem>>
      %dma_start3A_33 = arith.constant 16384 : i32
      %dma_start3A_34 = tpu.memref_slice %arg2[%add3A_4, %dma_start3A_33] : memref<128x32768xf32, #tpu.memory_space<hbm>> -> memref<1x8192xf32, #tpu.memory_space<hbm>>
      %dma_start3A_35 = tpu.memref_squeeze %dma_start3A_34 : memref<1x8192xf32, #tpu.memory_space<hbm>> -> memref<8192xf32, #tpu.memory_space<hbm>>
      tpu.enqueue_dma source(%dma_start3A_35 : memref<8192xf32, #tpu.memory_space<hbm>>) target(%dma_start3A_32 : memref<8192xf32, #tpu.memory_space<vmem>>) target_semaphore(%arg9 : memref<!tpu.dma_semaphore, #tpu.memory_space<semaphore_mem>>)
      %dma_start3A_36 = arith.constant 24576 : i32
      %dma_start3A_37 = tpu.memref_slice %arg4[%dma_start3A_36] : memref<32768xf32, #tpu.memory_space<vmem>> -> memref<8192xf32, #tpu.memory_space<vmem>>
      %dma_start3A_38 = arith.constant 24576 : i32
      %dma_start3A_39 = tpu.memref_slice %arg2[%add3A_4, %dma_start3A_38] : memref<128x32768xf32, #tpu.memory_space<hbm>> -> memref<1x8192xf32, #tpu.memory_space<hbm>>
      %dma_start3A_40 = tpu.memref_squeeze %dma_start3A_39 : memref<1x8192xf32, #tpu.memory_space<hbm>> -> memref<8192xf32, #tpu.memory_space<hbm>>
      %dma_start3A_41 = arith.constant 24576 : i32
      %dma_start3A_42 = tpu.memref_slice %arg4[%dma_start3A_41] : memref<32768xf32, #tpu.memory_space<vmem>> -> memref<8192xf32, #tpu.memory_space<vmem>>
      %dma_start3A_43 = arith.constant 24576 : i32
      %dma_start3A_44 = tpu.memref_slice %arg2[%add3A_4, %dma_start3A_43] : memref<128x32768xf32, #tpu.memory_space<hbm>> -> memref<1x8192xf32, #tpu.memory_space<hbm>>
      %dma_start3A_45 = tpu.memref_squeeze %dma_start3A_44 : memref<1x8192xf32, #tpu.memory_space<hbm>> -> memref<8192xf32, #tpu.memory_space<hbm>>
      tpu.enqueue_dma source(%dma_start3A_45 : memref<8192xf32, #tpu.memory_space<hbm>>) target(%dma_start3A_42 : memref<8192xf32, #tpu.memory_space<vmem>>) target_semaphore(%arg10 : memref<!tpu.dma_semaphore, #tpu.memory_space<semaphore_mem>>)
      %broadcast_in_dim3A = arith.constant 0 : i32
      %broadcast_in_dim3A_46 = vector.broadcast %broadcast_in_dim3A : i32 to vector<16xi32>
      %iota3A = tpu.iota {dimensions = array<i32: 0>} : vector<16xi32>
      %add3A_47 = arith.constant 0 : i32
      %add3A_48 = arith.addi %add3A_4, %add3A_47 : i32
      %add3A_49 = arith.constant 1 : i32
      %add3A_50 = arith.addi %add3A_48, %add3A_49 : i32
      %dma_start3A_51 = arith.constant 0 : i32
      %dma_start3A_52 = tpu.memref_slice %arg5[%dma_start3A_51] : memref<32768xf32, #tpu.memory_space<vmem>> -> memref<8192xf32, #tpu.memory_space<vmem>>
      %dma_start3A_53 = arith.constant 0 : i32
      %dma_start3A_54 = tpu.memref_slice %arg2[%add3A_50, %dma_start3A_53] : memref<128x32768xf32, #tpu.memory_space<hbm>> -> memref<1x8192xf32, #tpu.memory_space<hbm>>
      %dma_start3A_55 = tpu.memref_squeeze %dma_start3A_54 : memref<1x8192xf32, #tpu.memory_space<hbm>> -> memref<8192xf32, #tpu.memory_space<hbm>>
      %dma_start3A_56 = arith.constant 0 : i32
      %dma_start3A_57 = tpu.memref_slice %arg5[%dma_start3A_56] : memref<32768xf32, #tpu.memory_space<vmem>> -> memref<8192xf32, #tpu.memory_space<vmem>>
      %dma_start3A_58 = arith.constant 0 : i32
      %dma_start3A_59 = tpu.memref_slice %arg2[%add3A_50, %dma_start3A_58] : memref<128x32768xf32, #tpu.memory_space<hbm>> -> memref<1x8192xf32, #tpu.memory_space<hbm>>
      %dma_start3A_60 = tpu.memref_squeeze %dma_start3A_59 : memref<1x8192xf32, #tpu.memory_space<hbm>> -> memref<8192xf32, #tpu.memory_space<hbm>>
      tpu.enqueue_dma source(%dma_start3A_60 : memref<8192xf32, #tpu.memory_space<hbm>>) target(%dma_start3A_57 : memref<8192xf32, #tpu.memory_space<vmem>>) target_semaphore(%arg11 : memref<!tpu.dma_semaphore, #tpu.memory_space<semaphore_mem>>)
      %dma_start3A_61 = arith.constant 8192 : i32
      %dma_start3A_62 = tpu.memref_slice %arg5[%dma_start3A_61] : memref<32768xf32, #tpu.memory_space<vmem>> -> memref<8192xf32, #tpu.memory_space<vmem>>
      %dma_start3A_63 = arith.constant 8192 : i32
      %dma_start3A_64 = tpu.memref_slice %arg2[%add3A_50, %dma_start3A_63] : memref<128x32768xf32, #tpu.memory_space<hbm>> -> memref<1x8192xf32, #tpu.memory_space<hbm>>
      %dma_start3A_65 = tpu.memref_squeeze %dma_start3A_64 : memref<1x8192xf32, #tpu.memory_space<hbm>> -> memref<8192xf32, #tpu.memory_space<hbm>>
      %dma_start3A_66 = arith.constant 8192 : i32
      %dma_start3A_67 = tpu.memref_slice %arg5[%dma_start3A_66] : memref<32768xf32, #tpu.memory_space<vmem>> -> memref<8192xf32, #tpu.memory_space<vmem>>
      %dma_start3A_68 = arith.constant 8192 : i32
      %dma_start3A_69 = tpu.memref_slice %arg2[%add3A_50, %dma_start3A_68] : memref<128x32768xf32, #tpu.memory_space<hbm>> -> memref<1x8192xf32, #tpu.memory_space<hbm>>
      %dma_start3A_70 = tpu.memref_squeeze %dma_start3A_69 : memref<1x8192xf32, #tpu.memory_space<hbm>> -> memref<8192xf32, #tpu.memory_space<hbm>>
      tpu.enqueue_dma source(%dma_start3A_70 : memref<8192xf32, #tpu.memory_space<hbm>>) target(%dma_start3A_67 : memref<8192xf32, #tpu.memory_space<vmem>>) target_semaphore(%arg12 : memref<!tpu.dma_semaphore, #tpu.memory_space<semaphore_mem>>)
      %dma_start3A_71 = arith.constant 16384 : i32
      %dma_start3A_72 = tpu.memref_slice %arg5[%dma_start3A_71] : memref<32768xf32, #tpu.memory_space<vmem>> -> memref<8192xf32, #tpu.memory_space<vmem>>
      %dma_start3A_73 = arith.constant 16384 : i32
      %dma_start3A_74 = tpu.memref_slice %arg2[%add3A_50, %dma_start3A_73] : memref<128x32768xf32, #tpu.memory_space<hbm>> -> memref<1x8192xf32, #tpu.memory_space<hbm>>
      %dma_start3A_75 = tpu.memref_squeeze %dma_start3A_74 : memref<1x8192xf32, #tpu.memory_space<hbm>> -> memref<8192xf32, #tpu.memory_space<hbm>>
      %dma_start3A_76 = arith.constant 16384 : i32
      %dma_start3A_77 = tpu.memref_slice %arg5[%dma_start3A_76] : memref<32768xf32, #tpu.memory_space<vmem>> -> memref<8192xf32, #tpu.memory_space<vmem>>
      %dma_start3A_78 = arith.constant 16384 : i32
      %dma_start3A_79 = tpu.memref_slice %arg2[%add3A_50, %dma_start3A_78] : memref<128x32768xf32, #tpu.memory_space<hbm>> -> memref<1x8192xf32, #tpu.memory_space<hbm>>
      %dma_start3A_80 = tpu.memref_squeeze %dma_start3A_79 : memref<1x8192xf32, #tpu.memory_space<hbm>> -> memref<8192xf32, #tpu.memory_space<hbm>>
      tpu.enqueue_dma source(%dma_start3A_80 : memref<8192xf32, #tpu.memory_space<hbm>>) target(%dma_start3A_77 : memref<8192xf32, #tpu.memory_space<vmem>>) target_semaphore(%arg13 : memref<!tpu.dma_semaphore, #tpu.memory_space<semaphore_mem>>)
      %dma_start3A_81 = arith.constant 24576 : i32
      %dma_start3A_82 = tpu.memref_slice %arg5[%dma_start3A_81] : memref<32768xf32, #tpu.memory_space<vmem>> -> memref<8192xf32, #tpu.memory_space<vmem>>
      %dma_start3A_83 = arith.constant 24576 : i32
      %dma_start3A_84 = tpu.memref_slice %arg2[%add3A_50, %dma_start3A_83] : memref<128x32768xf32, #tpu.memory_space<hbm>> -> memref<1x8192xf32, #tpu.memory_space<hbm>>
      %dma_start3A_85 = tpu.memref_squeeze %dma_start3A_84 : memref<1x8192xf32, #tpu.memory_space<hbm>> -> memref<8192xf32, #tpu.memory_space<hbm>>
      %dma_start3A_86 = arith.constant 24576 : i32
      %dma_start3A_87 = tpu.memref_slice %arg5[%dma_start3A_86] : memref<32768xf32, #tpu.memory_space<vmem>> -> memref<8192xf32, #tpu.memory_space<vmem>>
      %dma_start3A_88 = arith.constant 24576 : i32
      %dma_start3A_89 = tpu.memref_slice %arg2[%add3A_50, %dma_start3A_88] : memref<128x32768xf32, #tpu.memory_space<hbm>> -> memref<1x8192xf32, #tpu.memory_space<hbm>>
      %dma_start3A_90 = tpu.memref_squeeze %dma_start3A_89 : memref<1x8192xf32, #tpu.memory_space<hbm>> -> memref<8192xf32, #tpu.memory_space<hbm>>
      tpu.enqueue_dma source(%dma_start3A_90 : memref<8192xf32, #tpu.memory_space<hbm>>) target(%dma_start3A_87 : memref<8192xf32, #tpu.memory_space<vmem>>) target_semaphore(%arg14 : memref<!tpu.dma_semaphore, #tpu.memory_space<semaphore_mem>>)
      %add3A_91 = arith.constant 0 : i32
      %add3A_92 = arith.addi %add3A_4, %add3A_91 : i32
      %iota3A_93 = tpu.iota {dimensions = array<i32: 0>} : vector<16xi32>
      %broadcast_in_dim3A_94 = arith.constant 0xFF800000 : f32
      %broadcast_in_dim3A_95 = vector.broadcast %broadcast_in_dim3A_94 : f32 to vector<16xf32>
      %broadcast_in_dim3A_96 = arith.constant 0xFF800000 : f32
      %broadcast_in_dim3A_97 = vector.broadcast %broadcast_in_dim3A_96 : f32 to vector<16xf32>
      %broadcast_in_dim3A_98 = arith.constant 0xFF800000 : f32
      %broadcast_in_dim3A_99 = vector.broadcast %broadcast_in_dim3A_98 : f32 to vector<16xf32>
      %broadcast_in_dim3A_100 = arith.constant 0xFF800000 : f32
      %broadcast_in_dim3A_101 = vector.broadcast %broadcast_in_dim3A_100 : f32 to vector<16xf32>
      %broadcast_in_dim3A_102 = arith.constant 0xFF800000 : f32
      %broadcast_in_dim3A_103 = vector.broadcast %broadcast_in_dim3A_102 : f32 to vector<16xf32>
      %broadcast_in_dim3A_104 = arith.constant 0xFF800000 : f32
      %broadcast_in_dim3A_105 = vector.broadcast %broadcast_in_dim3A_104 : f32 to vector<16xf32>
      %broadcast_in_dim3A_106 = arith.constant 0xFF800000 : f32
      %broadcast_in_dim3A_107 = vector.broadcast %broadcast_in_dim3A_106 : f32 to vector<16xf32>
      %broadcast_in_dim3A_108 = arith.constant 0xFF800000 : f32
      %broadcast_in_dim3A_109 = vector.broadcast %broadcast_in_dim3A_108 : f32 to vector<16xf32>
      %broadcast_in_dim3A_110 = arith.constant 0 : i32
      %broadcast_in_dim3A_111 = vector.broadcast %broadcast_in_dim3A_110 : i32 to vector<16xi32>
      %broadcast_in_dim3A_112 = arith.constant 0 : i32
      %broadcast_in_dim3A_113 = vector.broadcast %broadcast_in_dim3A_112 : i32 to vector<16xi32>
      %broadcast_in_dim3A_114 = arith.constant 0 : i32
      %broadcast_in_dim3A_115 = vector.broadcast %broadcast_in_dim3A_114 : i32 to vector<16xi32>
      %broadcast_in_dim3A_116 = arith.constant 0 : i32
      %broadcast_in_dim3A_117 = vector.broadcast %broadcast_in_dim3A_116 : i32 to vector<16xi32>
      %broadcast_in_dim3A_118 = arith.constant 0 : i32
      %broadcast_in_dim3A_119 = vector.broadcast %broadcast_in_dim3A_118 : i32 to vector<16xi32>
      %broadcast_in_dim3A_120 = arith.constant 0 : i32
      %broadcast_in_dim3A_121 = vector.broadcast %broadcast_in_dim3A_120 : i32 to vector<16xi32>
      %broadcast_in_dim3A_122 = arith.constant 0 : i32
      %broadcast_in_dim3A_123 = vector.broadcast %broadcast_in_dim3A_122 : i32 to vector<16xi32>
      %broadcast_in_dim3A_124 = arith.constant 0 : i32
      %broadcast_in_dim3A_125 = vector.broadcast %broadcast_in_dim3A_124 : i32 to vector<16xi32>
      %dma_wait3A = arith.constant 0 : i32
      %dma_wait3A_126 = tpu.memref_slice %arg4[%dma_wait3A] : memref<32768xf32, #tpu.memory_space<vmem>> -> memref<8192xf32, #tpu.memory_space<vmem>>
      %dma_wait3A_127 = arith.constant 0 : i32
      %dma_wait3A_128 = tpu.memref_slice %arg2[%add3A_92, %dma_wait3A_127] : memref<128x32768xf32, #tpu.memory_space<hbm>> -> memref<1x8192xf32, #tpu.memory_space<hbm>>
      %dma_wait3A_129 = tpu.memref_squeeze %dma_wait3A_128 : memref<1x8192xf32, #tpu.memory_space<hbm>> -> memref<8192xf32, #tpu.memory_space<hbm>>
      %dma_wait3A_130 = arith.constant 0 : i32
      %dma_wait3A_131 = tpu.memref_slice %arg4[%dma_wait3A_130] : memref<32768xf32, #tpu.memory_space<vmem>> -> memref<8192xf32, #tpu.memory_space<vmem>>
      %dma_wait3A_132 = arith.constant 0 : i32
      %dma_wait3A_133 = tpu.memref_slice %arg2[%add3A_92, %dma_wait3A_132] : memref<128x32768xf32, #tpu.memory_space<hbm>> -> memref<1x8192xf32, #tpu.memory_space<hbm>>
      %dma_wait3A_134 = tpu.memref_squeeze %dma_wait3A_133 : memref<1x8192xf32, #tpu.memory_space<hbm>> -> memref<8192xf32, #tpu.memory_space<hbm>>
      tpu.wait_dma2 semaphore(%arg7 : memref<!tpu.dma_semaphore, #tpu.memory_space<semaphore_mem>>) src(%dma_wait3A_134 : memref<8192xf32, #tpu.memory_space<hbm>>) dst(%dma_wait3A_131 : memref<8192xf32, #tpu.memory_space<vmem>>)
      %scan3A = arith.constant 0 : i32
      %scan3A_135 = arith.constant 64 : i32
      %scan3A_136 = arith.addi %scan3A, %scan3A_135 : i32
      %scan3A_137 = arith.constant 1 : i32
      %scan3A_138:16 = scf.for %scan3A_528 = %scan3A to %scan3A_136 step %scan3A_137 iter_args(%scan3A_529 = %broadcast_in_dim3A_95, %scan3A_530 = %broadcast_in_dim3A_97, %scan3A_531 = %broadcast_in_dim3A_99, %scan3A_532 = %broadcast_in_dim3A_101, %scan3A_533 = %broadcast_in_dim3A_103, %scan3A_534 = %broadcast_in_dim3A_105, %scan3A_535 = %broadcast_in_dim3A_107, %scan3A_536 = %broadcast_in_dim3A_109, %scan3A_537 = %broadcast_in_dim3A_111, %scan3A_538 = %broadcast_in_dim3A_113, %scan3A_539 = %broadcast_in_dim3A_115, %scan3A_540 = %broadcast_in_dim3A_117, %scan3A_541 = %broadcast_in_dim3A_119, %scan3A_542 = %broadcast_in_dim3A_121, %scan3A_543 = %broadcast_in_dim3A_123, %scan3A_544 = %broadcast_in_dim3A_125) -> (vector<16xf32>, vector<16xf32>, vector<16xf32>, vector<16xf32>, vector<16xf32>, vector<16xf32>, vector<16xf32>, vector<16xf32>, vector<16xi32>, vector<16xi32>, vector<16xi32>, vector<16xi32>, vector<16xi32>, vector<16xi32>, vector<16xi32>, vector<16xi32>)  : i32 {
        %mul3A_545 = arith.constant 128 : i32
        %mul3A_546 = arith.muli %scan3A_528, %mul3A_545 : i32
        %add3A_547 = arith.constant 0 : i32
        %add3A_548 = arith.addi %mul3A_546, %add3A_547 : i32
        %get3A = arith.index_cast %add3A_548 : i32 to index
        %get3A_549 = tpu.vector_load %arg4[%get3A] {strides = array<i32>} : memref<32768xf32, #tpu.memory_space<vmem>>, vector<16xf32>,
        %gt3A_550 = arith.cmpf ogt, %get3A_549, %scan3A_529 : vector<16xf32>
        %select_n3A_551 = arith.select %gt3A_550, %get3A_549, %scan3A_529 : vector<16xi1>, vector<16xf32>
        %broadcast_in_dim3A_552 = vector.broadcast %scan3A_528 : i32 to vector<16xi32>
        %select_n3A_553 = arith.select %gt3A_550, %broadcast_in_dim3A_552, %scan3A_537 : vector<16xi1>, vector<16xi32>
        %add3A_554 = arith.constant 16 : i32
        %add3A_555 = arith.addi %mul3A_546, %add3A_554 : i32
        %get3A_556 = arith.index_cast %add3A_555 : i32 to index
        %get3A_557 = tpu.vector_load %arg4[%get3A_556] {strides = array<i32>} : memref<32768xf32, #tpu.memory_space<vmem>>, vector<16xf32>,
        %gt3A_558 = arith.cmpf ogt, %get3A_557, %scan3A_530 : vector<16xf32>
        %select_n3A_559 = arith.select %gt3A_558, %get3A_557, %scan3A_530 : vector<16xi1>, vector<16xf32>
        %broadcast_in_dim3A_560 = vector.broadcast %scan3A_528 : i32 to vector<16xi32>
        %select_n3A_561 = arith.select %gt3A_558, %broadcast_in_dim3A_560, %scan3A_538 : vector<16xi1>, vector<16xi32>
        %add3A_562 = arith.constant 32 : i32
        %add3A_563 = arith.addi %mul3A_546, %add3A_562 : i32
        %get3A_564 = arith.index_cast %add3A_563 : i32 to index
        %get3A_565 = tpu.vector_load %arg4[%get3A_564] {strides = array<i32>} : memref<32768xf32, #tpu.memory_space<vmem>>, vector<16xf32>,
        %gt3A_566 = arith.cmpf ogt, %get3A_565, %scan3A_531 : vector<16xf32>
        %select_n3A_567 = arith.select %gt3A_566, %get3A_565, %scan3A_531 : vector<16xi1>, vector<16xf32>
        %broadcast_in_dim3A_568 = vector.broadcast %scan3A_528 : i32 to vector<16xi32>
        %select_n3A_569 = arith.select %gt3A_566, %broadcast_in_dim3A_568, %scan3A_539 : vector<16xi1>, vector<16xi32>
        %add3A_570 = arith.constant 48 : i32
        %add3A_571 = arith.addi %mul3A_546, %add3A_570 : i32
        %get3A_572 = arith.index_cast %add3A_571 : i32 to index
        %get3A_573 = tpu.vector_load %arg4[%get3A_572] {strides = array<i32>} : memref<32768xf32, #tpu.memory_space<vmem>>, vector<16xf32>,
        %gt3A_574 = arith.cmpf ogt, %get3A_573, %scan3A_532 : vector<16xf32>
        %select_n3A_575 = arith.select %gt3A_574, %get3A_573, %scan3A_532 : vector<16xi1>, vector<16xf32>
        %broadcast_in_dim3A_576 = vector.broadcast %scan3A_528 : i32 to vector<16xi32>
        %select_n3A_577 = arith.select %gt3A_574, %broadcast_in_dim3A_576, %scan3A_540 : vector<16xi1>, vector<16xi32>
        %add3A_578 = arith.constant 64 : i32
        %add3A_579 = arith.addi %mul3A_546, %add3A_578 : i32
        %get3A_580 = arith.index_cast %add3A_579 : i32 to index
        %get3A_581 = tpu.vector_load %arg4[%get3A_580] {strides = array<i32>} : memref<32768xf32, #tpu.memory_space<vmem>>, vector<16xf32>,
        %gt3A_582 = arith.cmpf ogt, %get3A_581, %scan3A_533 : vector<16xf32>
        %select_n3A_583 = arith.select %gt3A_582, %get3A_581, %scan3A_533 : vector<16xi1>, vector<16xf32>
        %broadcast_in_dim3A_584 = vector.broadcast %scan3A_528 : i32 to vector<16xi32>
        %select_n3A_585 = arith.select %gt3A_582, %broadcast_in_dim3A_584, %scan3A_541 : vector<16xi1>, vector<16xi32>
        %add3A_586 = arith.constant 80 : i32
        %add3A_587 = arith.addi %mul3A_546, %add3A_586 : i32
        %get3A_588 = arith.index_cast %add3A_587 : i32 to index
        %get3A_589 = tpu.vector_load %arg4[%get3A_588] {strides = array<i32>} : memref<32768xf32, #tpu.memory_space<vmem>>, vector<16xf32>,
        %gt3A_590 = arith.cmpf ogt, %get3A_589, %scan3A_534 : vector<16xf32>
        %select_n3A_591 = arith.select %gt3A_590, %get3A_589, %scan3A_534 : vector<16xi1>, vector<16xf32>
        %broadcast_in_dim3A_592 = vector.broadcast %scan3A_528 : i32 to vector<16xi32>
        %select_n3A_593 = arith.select %gt3A_590, %broadcast_in_dim3A_592, %scan3A_542 : vector<16xi1>, vector<16xi32>
        %add3A_594 = arith.constant 96 : i32
        %add3A_595 = arith.addi %mul3A_546, %add3A_594 : i32
        %get3A_596 = arith.index_cast %add3A_595 : i32 to index
        %get3A_597 = tpu.vector_load %arg4[%get3A_596] {strides = array<i32>} : memref<32768xf32, #tpu.memory_space<vmem>>, vector<16xf32>,
        %gt3A_598 = arith.cmpf ogt, %get3A_597, %scan3A_535 : vector<16xf32>
        %select_n3A_599 = arith.select %gt3A_598, %get3A_597, %scan3A_535 : vector<16xi1>, vector<16xf32>
        %broadcast_in_dim3A_600 = vector.broadcast %scan3A_528 : i32 to vector<16xi32>
        %select_n3A_601 = arith.select %gt3A_598, %broadcast_in_dim3A_600, %scan3A_543 : vector<16xi1>, vector<16xi32>
        %add3A_602 = arith.constant 112 : i32
        %add3A_603 = arith.addi %mul3A_546, %add3A_602 : i32
        %get3A_604 = arith.index_cast %add3A_603 : i32 to index
        %get3A_605 = tpu.vector_load %arg4[%get3A_604] {strides = array<i32>} : memref<32768xf32, #tpu.memory_space<vmem>>, vector<16xf32>,
        %gt3A_606 = arith.cmpf ogt, %get3A_605, %scan3A_536 : vector<16xf32>
        %select_n3A_607 = arith.select %gt3A_606, %get3A_605, %scan3A_536 : vector<16xi1>, vector<16xf32>
        %broadcast_in_dim3A_608 = vector.broadcast %scan3A_528 : i32 to vector<16xi32>
        %select_n3A_609 = arith.select %gt3A_606, %broadcast_in_dim3A_608, %scan3A_544 : vector<16xi1>, vector<16xi32>
        scf.yield %select_n3A_551, %select_n3A_559, %select_n3A_567, %select_n3A_575, %select_n3A_583, %select_n3A_591, %select_n3A_599, %select_n3A_607, %select_n3A_553, %select_n3A_561, %select_n3A_569, %select_n3A_577, %select_n3A_585, %select_n3A_593, %select_n3A_601, %select_n3A_609 : vector<16xf32>, vector<16xf32>, vector<16xf32>, vector<16xf32>, vector<16xf32>, vector<16xf32>, vector<16xf32>, vector<16xf32>, vector<16xi32>, vector<16xi32>, vector<16xi32>, vector<16xi32>, vector<16xi32>, vector<16xi32>, vector<16xi32>, vector<16xi32>
      }
      %scan3A_139 = arith.constant 64 : i32
      %dma_wait3A_140 = arith.constant 8192 : i32
      %dma_wait3A_141 = tpu.memref_slice %arg4[%dma_wait3A_140] : memref<32768xf32, #tpu.memory_space<vmem>> -> memref<8192xf32, #tpu.memory_space<vmem>>
      %dma_wait3A_142 = arith.constant 8192 : i32
      %dma_wait3A_143 = tpu.memref_slice %arg2[%add3A_92, %dma_wait3A_142] : memref<128x32768xf32, #tpu.memory_space<hbm>> -> memref<1x8192xf32, #tpu.memory_space<hbm>>
      %dma_wait3A_144 = tpu.memref_squeeze %dma_wait3A_143 : memref<1x8192xf32, #tpu.memory_space<hbm>> -> memref<8192xf32, #tpu.memory_space<hbm>>
      %dma_wait3A_145 = arith.constant 8192 : i32
      %dma_wait3A_146 = tpu.memref_slice %arg4[%dma_wait3A_145] : memref<32768xf32, #tpu.memory_space<vmem>> -> memref<8192xf32, #tpu.memory_space<vmem>>
      %dma_wait3A_147 = arith.constant 8192 : i32
      %dma_wait3A_148 = tpu.memref_slice %arg2[%add3A_92, %dma_wait3A_147] : memref<128x32768xf32, #tpu.memory_space<hbm>> -> memref<1x8192xf32, #tpu.memory_space<hbm>>
      %dma_wait3A_149 = tpu.memref_squeeze %dma_wait3A_148 : memref<1x8192xf32, #tpu.memory_space<hbm>> -> memref<8192xf32, #tpu.memory_space<hbm>>
      tpu.wait_dma2 semaphore(%arg8 : memref<!tpu.dma_semaphore, #tpu.memory_space<semaphore_mem>>) src(%dma_wait3A_149 : memref<8192xf32, #tpu.memory_space<hbm>>) dst(%dma_wait3A_146 : memref<8192xf32, #tpu.memory_space<vmem>>)
      %scan3A_150 = arith.constant 64 : i32
      %scan3A_151 = arith.constant 64 : i32
      %scan3A_152 = arith.addi %scan3A_150, %scan3A_151 : i32
      %scan3A_153 = arith.constant 1 : i32
      %scan3A_154:16 = scf.for %scan3A_528 = %scan3A_150 to %scan3A_152 step %scan3A_153 iter_args(%scan3A_529 = %scan3A_138#0, %scan3A_530 = %scan3A_138#1, %scan3A_531 = %scan3A_138#2, %scan3A_532 = %scan3A_138#3, %scan3A_533 = %scan3A_138#4, %scan3A_534 = %scan3A_138#5, %scan3A_535 = %scan3A_138#6, %scan3A_536 = %scan3A_138#7, %scan3A_537 = %scan3A_138#8, %scan3A_538 = %scan3A_138#9, %scan3A_539 = %scan3A_138#10, %scan3A_540 = %scan3A_138#11, %scan3A_541 = %scan3A_138#12, %scan3A_542 = %scan3A_138#13, %scan3A_543 = %scan3A_138#14, %scan3A_544 = %scan3A_138#15) -> (vector<16xf32>, vector<16xf32>, vector<16xf32>, vector<16xf32>, vector<16xf32>, vector<16xf32>, vector<16xf32>, vector<16xf32>, vector<16xi32>, vector<16xi32>, vector<16xi32>, vector<16xi32>, vector<16xi32>, vector<16xi32>, vector<16xi32>, vector<16xi32>)  : i32 {
        %mul3A_545 = arith.constant 128 : i32
        %mul3A_546 = arith.muli %scan3A_528, %mul3A_545 : i32
        %add3A_547 = arith.constant 0 : i32
        %add3A_548 = arith.addi %mul3A_546, %add3A_547 : i32
        %get3A = arith.index_cast %add3A_548 : i32 to index
        %get3A_549 = tpu.vector_load %arg4[%get3A] {strides = array<i32>} : memref<32768xf32, #tpu.memory_space<vmem>>, vector<16xf32>,
        %gt3A_550 = arith.cmpf ogt, %get3A_549, %scan3A_529 : vector<16xf32>
        %select_n3A_551 = arith.select %gt3A_550, %get3A_549, %scan3A_529 : vector<16xi1>, vector<16xf32>
        %broadcast_in_dim3A_552 = vector.broadcast %scan3A_528 : i32 to vector<16xi32>
        %select_n3A_553 = arith.select %gt3A_550, %broadcast_in_dim3A_552, %scan3A_537 : vector<16xi1>, vector<16xi32>
        %add3A_554 = arith.constant 16 : i32
        %add3A_555 = arith.addi %mul3A_546, %add3A_554 : i32
        %get3A_556 = arith.index_cast %add3A_555 : i32 to index
        %get3A_557 = tpu.vector_load %arg4[%get3A_556] {strides = array<i32>} : memref<32768xf32, #tpu.memory_space<vmem>>, vector<16xf32>,
        %gt3A_558 = arith.cmpf ogt, %get3A_557, %scan3A_530 : vector<16xf32>
        %select_n3A_559 = arith.select %gt3A_558, %get3A_557, %scan3A_530 : vector<16xi1>, vector<16xf32>
        %broadcast_in_dim3A_560 = vector.broadcast %scan3A_528 : i32 to vector<16xi32>
        %select_n3A_561 = arith.select %gt3A_558, %broadcast_in_dim3A_560, %scan3A_538 : vector<16xi1>, vector<16xi32>
        %add3A_562 = arith.constant 32 : i32
        %add3A_563 = arith.addi %mul3A_546, %add3A_562 : i32
        %get3A_564 = arith.index_cast %add3A_563 : i32 to index
        %get3A_565 = tpu.vector_load %arg4[%get3A_564] {strides = array<i32>} : memref<32768xf32, #tpu.memory_space<vmem>>, vector<16xf32>,
        %gt3A_566 = arith.cmpf ogt, %get3A_565, %scan3A_531 : vector<16xf32>
        %select_n3A_567 = arith.select %gt3A_566, %get3A_565, %scan3A_531 : vector<16xi1>, vector<16xf32>
        %broadcast_in_dim3A_568 = vector.broadcast %scan3A_528 : i32 to vector<16xi32>
        %select_n3A_569 = arith.select %gt3A_566, %broadcast_in_dim3A_568, %scan3A_539 : vector<16xi1>, vector<16xi32>
        %add3A_570 = arith.constant 48 : i32
        %add3A_571 = arith.addi %mul3A_546, %add3A_570 : i32
        %get3A_572 = arith.index_cast %add3A_571 : i32 to index
        %get3A_573 = tpu.vector_load %arg4[%get3A_572] {strides = array<i32>} : memref<32768xf32, #tpu.memory_space<vmem>>, vector<16xf32>,
        %gt3A_574 = arith.cmpf ogt, %get3A_573, %scan3A_532 : vector<16xf32>
        %select_n3A_575 = arith.select %gt3A_574, %get3A_573, %scan3A_532 : vector<16xi1>, vector<16xf32>
        %broadcast_in_dim3A_576 = vector.broadcast %scan3A_528 : i32 to vector<16xi32>
        %select_n3A_577 = arith.select %gt3A_574, %broadcast_in_dim3A_576, %scan3A_540 : vector<16xi1>, vector<16xi32>
        %add3A_578 = arith.constant 64 : i32
        %add3A_579 = arith.addi %mul3A_546, %add3A_578 : i32
        %get3A_580 = arith.index_cast %add3A_579 : i32 to index
        %get3A_581 = tpu.vector_load %arg4[%get3A_580] {strides = array<i32>} : memref<32768xf32, #tpu.memory_space<vmem>>, vector<16xf32>,
        %gt3A_582 = arith.cmpf ogt, %get3A_581, %scan3A_533 : vector<16xf32>
        %select_n3A_583 = arith.select %gt3A_582, %get3A_581, %scan3A_533 : vector<16xi1>, vector<16xf32>
        %broadcast_in_dim3A_584 = vector.broadcast %scan3A_528 : i32 to vector<16xi32>
        %select_n3A_585 = arith.select %gt3A_582, %broadcast_in_dim3A_584, %scan3A_541 : vector<16xi1>, vector<16xi32>
        %add3A_586 = arith.constant 80 : i32
        %add3A_587 = arith.addi %mul3A_546, %add3A_586 : i32
        %get3A_588 = arith.index_cast %add3A_587 : i32 to index
        %get3A_589 = tpu.vector_load %arg4[%get3A_588] {strides = array<i32>} : memref<32768xf32, #tpu.memory_space<vmem>>, vector<16xf32>,
        %gt3A_590 = arith.cmpf ogt, %get3A_589, %scan3A_534 : vector<16xf32>
        %select_n3A_591 = arith.select %gt3A_590, %get3A_589, %scan3A_534 : vector<16xi1>, vector<16xf32>
        %broadcast_in_dim3A_592 = vector.broadcast %scan3A_528 : i32 to vector<16xi32>
        %select_n3A_593 = arith.select %gt3A_590, %broadcast_in_dim3A_592, %scan3A_542 : vector<16xi1>, vector<16xi32>
        %add3A_594 = arith.constant 96 : i32
        %add3A_595 = arith.addi %mul3A_546, %add3A_594 : i32
        %get3A_596 = arith.index_cast %add3A_595 : i32 to index
        %get3A_597 = tpu.vector_load %arg4[%get3A_596] {strides = array<i32>} : memref<32768xf32, #tpu.memory_space<vmem>>, vector<16xf32>,
        %gt3A_598 = arith.cmpf ogt, %get3A_597, %scan3A_535 : vector<16xf32>
        %select_n3A_599 = arith.select %gt3A_598, %get3A_597, %scan3A_535 : vector<16xi1>, vector<16xf32>
        %broadcast_in_dim3A_600 = vector.broadcast %scan3A_528 : i32 to vector<16xi32>
        %select_n3A_601 = arith.select %gt3A_598, %broadcast_in_dim3A_600, %scan3A_543 : vector<16xi1>, vector<16xi32>
        %add3A_602 = arith.constant 112 : i32
        %add3A_603 = arith.addi %mul3A_546, %add3A_602 : i32
        %get3A_604 = arith.index_cast %add3A_603 : i32 to index
        %get3A_605 = tpu.vector_load %arg4[%get3A_604] {strides = array<i32>} : memref<32768xf32, #tpu.memory_space<vmem>>, vector<16xf32>,
        %gt3A_606 = arith.cmpf ogt, %get3A_605, %scan3A_536 : vector<16xf32>
        %select_n3A_607 = arith.select %gt3A_606, %get3A_605, %scan3A_536 : vector<16xi1>, vector<16xf32>
        %broadcast_in_dim3A_608 = vector.broadcast %scan3A_528 : i32 to vector<16xi32>
        %select_n3A_609 = arith.select %gt3A_606, %broadcast_in_dim3A_608, %scan3A_544 : vector<16xi1>, vector<16xi32>
        scf.yield %select_n3A_551, %select_n3A_559, %select_n3A_567, %select_n3A_575, %select_n3A_583, %select_n3A_591, %select_n3A_599, %select_n3A_607, %select_n3A_553, %select_n3A_561, %select_n3A_569, %select_n3A_577, %select_n3A_585, %select_n3A_593, %select_n3A_601, %select_n3A_609 : vector<16xf32>, vector<16xf32>, vector<16xf32>, vector<16xf32>, vector<16xf32>, vector<16xf32>, vector<16xf32>, vector<16xf32>, vector<16xi32>, vector<16xi32>, vector<16xi32>, vector<16xi32>, vector<16xi32>, vector<16xi32>, vector<16xi32>, vector<16xi32>
      }
      %scan3A_155 = arith.constant 64 : i32
      %dma_wait3A_156 = arith.constant 16384 : i32
      %dma_wait3A_157 = tpu.memref_slice %arg4[%dma_wait3A_156] : memref<32768xf32, #tpu.memory_space<vmem>> -> memref<8192xf32, #tpu.memory_space<vmem>>
      %dma_wait3A_158 = arith.constant 16384 : i32
      %dma_wait3A_159 = tpu.memref_slice %arg2[%add3A_92, %dma_wait3A_158] : memref<128x32768xf32, #tpu.memory_space<hbm>> -> memref<1x8192xf32, #tpu.memory_space<hbm>>
      %dma_wait3A_160 = tpu.memref_squeeze %dma_wait3A_159 : memref<1x8192xf32, #tpu.memory_space<hbm>> -> memref<8192xf32, #tpu.memory_space<hbm>>
      %dma_wait3A_161 = arith.constant 16384 : i32
      %dma_wait3A_162 = tpu.memref_slice %arg4[%dma_wait3A_161] : memref<32768xf32, #tpu.memory_space<vmem>> -> memref<8192xf32, #tpu.memory_space<vmem>>
      %dma_wait3A_163 = arith.constant 16384 : i32
      %dma_wait3A_164 = tpu.memref_slice %arg2[%add3A_92, %dma_wait3A_163] : memref<128x32768xf32, #tpu.memory_space<hbm>> -> memref<1x8192xf32, #tpu.memory_space<hbm>>
      %dma_wait3A_165 = tpu.memref_squeeze %dma_wait3A_164 : memref<1x8192xf32, #tpu.memory_space<hbm>> -> memref<8192xf32, #tpu.memory_space<hbm>>
      tpu.wait_dma2 semaphore(%arg9 : memref<!tpu.dma_semaphore, #tpu.memory_space<semaphore_mem>>) src(%dma_wait3A_165 : memref<8192xf32, #tpu.memory_space<hbm>>) dst(%dma_wait3A_162 : memref<8192xf32, #tpu.memory_space<vmem>>)
      %scan3A_166 = arith.constant 128 : i32
      %scan3A_167 = arith.constant 64 : i32
      %scan3A_168 = arith.addi %scan3A_166, %scan3A_167 : i32
      %scan3A_169 = arith.constant 1 : i32
      %scan3A_170:16 = scf.for %scan3A_528 = %scan3A_166 to %scan3A_168 step %scan3A_169 iter_args(%scan3A_529 = %scan3A_154#0, %scan3A_530 = %scan3A_154#1, %scan3A_531 = %scan3A_154#2, %scan3A_532 = %scan3A_154#3, %scan3A_533 = %scan3A_154#4, %scan3A_534 = %scan3A_154#5, %scan3A_535 = %scan3A_154#6, %scan3A_536 = %scan3A_154#7, %scan3A_537 = %scan3A_154#8, %scan3A_538 = %scan3A_154#9, %scan3A_539 = %scan3A_154#10, %scan3A_540 = %scan3A_154#11, %scan3A_541 = %scan3A_154#12, %scan3A_542 = %scan3A_154#13, %scan3A_543 = %scan3A_154#14, %scan3A_544 = %scan3A_154#15) -> (vector<16xf32>, vector<16xf32>, vector<16xf32>, vector<16xf32>, vector<16xf32>, vector<16xf32>, vector<16xf32>, vector<16xf32>, vector<16xi32>, vector<16xi32>, vector<16xi32>, vector<16xi32>, vector<16xi32>, vector<16xi32>, vector<16xi32>, vector<16xi32>)  : i32 {
        %mul3A_545 = arith.constant 128 : i32
        %mul3A_546 = arith.muli %scan3A_528, %mul3A_545 : i32
        %add3A_547 = arith.constant 0 : i32
        %add3A_548 = arith.addi %mul3A_546, %add3A_547 : i32
        %get3A = arith.index_cast %add3A_548 : i32 to index
        %get3A_549 = tpu.vector_load %arg4[%get3A] {strides = array<i32>} : memref<32768xf32, #tpu.memory_space<vmem>>, vector<16xf32>,
        %gt3A_550 = arith.cmpf ogt, %get3A_549, %scan3A_529 : vector<16xf32>
        %select_n3A_551 = arith.select %gt3A_550, %get3A_549, %scan3A_529 : vector<16xi1>, vector<16xf32>
        %broadcast_in_dim3A_552 = vector.broadcast %scan3A_528 : i32 to vector<16xi32>
        %select_n3A_553 = arith.select %gt3A_550, %broadcast_in_dim3A_552, %scan3A_537 : vector<16xi1>, vector<16xi32>
        %add3A_554 = arith.constant 16 : i32
        %add3A_555 = arith.addi %mul3A_546, %add3A_554 : i32
        %get3A_556 = arith.index_cast %add3A_555 : i32 to index
        %get3A_557 = tpu.vector_load %arg4[%get3A_556] {strides = array<i32>} : memref<32768xf32, #tpu.memory_space<vmem>>, vector<16xf32>,
        %gt3A_558 = arith.cmpf ogt, %get3A_557, %scan3A_530 : vector<16xf32>
        %select_n3A_559 = arith.select %gt3A_558, %get3A_557, %scan3A_530 : vector<16xi1>, vector<16xf32>
        %broadcast_in_dim3A_560 = vector.broadcast %scan3A_528 : i32 to vector<16xi32>
        %select_n3A_561 = arith.select %gt3A_558, %broadcast_in_dim3A_560, %scan3A_538 : vector<16xi1>, vector<16xi32>
        %add3A_562 = arith.constant 32 : i32
        %add3A_563 = arith.addi %mul3A_546, %add3A_562 : i32
        %get3A_564 = arith.index_cast %add3A_563 : i32 to index
        %get3A_565 = tpu.vector_load %arg4[%get3A_564] {strides = array<i32>} : memref<32768xf32, #tpu.memory_space<vmem>>, vector<16xf32>,
        %gt3A_566 = arith.cmpf ogt, %get3A_565, %scan3A_531 : vector<16xf32>
        %select_n3A_567 = arith.select %gt3A_566, %get3A_565, %scan3A_531 : vector<16xi1>, vector<16xf32>
        %broadcast_in_dim3A_568 = vector.broadcast %scan3A_528 : i32 to vector<16xi32>
        %select_n3A_569 = arith.select %gt3A_566, %broadcast_in_dim3A_568, %scan3A_539 : vector<16xi1>, vector<16xi32>
        %add3A_570 = arith.constant 48 : i32
        %add3A_571 = arith.addi %mul3A_546, %add3A_570 : i32
        %get3A_572 = arith.index_cast %add3A_571 : i32 to index
        %get3A_573 = tpu.vector_load %arg4[%get3A_572] {strides = array<i32>} : memref<32768xf32, #tpu.memory_space<vmem>>, vector<16xf32>,
        %gt3A_574 = arith.cmpf ogt, %get3A_573, %scan3A_532 : vector<16xf32>
        %select_n3A_575 = arith.select %gt3A_574, %get3A_573, %scan3A_532 : vector<16xi1>, vector<16xf32>
        %broadcast_in_dim3A_576 = vector.broadcast %scan3A_528 : i32 to vector<16xi32>
        %select_n3A_577 = arith.select %gt3A_574, %broadcast_in_dim3A_576, %scan3A_540 : vector<16xi1>, vector<16xi32>
        %add3A_578 = arith.constant 64 : i32
        %add3A_579 = arith.addi %mul3A_546, %add3A_578 : i32
        %get3A_580 = arith.index_cast %add3A_579 : i32 to index
        %get3A_581 = tpu.vector_load %arg4[%get3A_580] {strides = array<i32>} : memref<32768xf32, #tpu.memory_space<vmem>>, vector<16xf32>,
        %gt3A_582 = arith.cmpf ogt, %get3A_581, %scan3A_533 : vector<16xf32>
        %select_n3A_583 = arith.select %gt3A_582, %get3A_581, %scan3A_533 : vector<16xi1>, vector<16xf32>
        %broadcast_in_dim3A_584 = vector.broadcast %scan3A_528 : i32 to vector<16xi32>
        %select_n3A_585 = arith.select %gt3A_582, %broadcast_in_dim3A_584, %scan3A_541 : vector<16xi1>, vector<16xi32>
        %add3A_586 = arith.constant 80 : i32
        %add3A_587 = arith.addi %mul3A_546, %add3A_586 : i32
        %get3A_588 = arith.index_cast %add3A_587 : i32 to index
        %get3A_589 = tpu.vector_load %arg4[%get3A_588] {strides = array<i32>} : memref<32768xf32, #tpu.memory_space<vmem>>, vector<16xf32>,
        %gt3A_590 = arith.cmpf ogt, %get3A_589, %scan3A_534 : vector<16xf32>
        %select_n3A_591 = arith.select %gt3A_590, %get3A_589, %scan3A_534 : vector<16xi1>, vector<16xf32>
        %broadcast_in_dim3A_592 = vector.broadcast %scan3A_528 : i32 to vector<16xi32>
        %select_n3A_593 = arith.select %gt3A_590, %broadcast_in_dim3A_592, %scan3A_542 : vector<16xi1>, vector<16xi32>
        %add3A_594 = arith.constant 96 : i32
        %add3A_595 = arith.addi %mul3A_546, %add3A_594 : i32
        %get3A_596 = arith.index_cast %add3A_595 : i32 to index
        %get3A_597 = tpu.vector_load %arg4[%get3A_596] {strides = array<i32>} : memref<32768xf32, #tpu.memory_space<vmem>>, vector<16xf32>,
        %gt3A_598 = arith.cmpf ogt, %get3A_597, %scan3A_535 : vector<16xf32>
        %select_n3A_599 = arith.select %gt3A_598, %get3A_597, %scan3A_535 : vector<16xi1>, vector<16xf32>
        %broadcast_in_dim3A_600 = vector.broadcast %scan3A_528 : i32 to vector<16xi32>
        %select_n3A_601 = arith.select %gt3A_598, %broadcast_in_dim3A_600, %scan3A_543 : vector<16xi1>, vector<16xi32>
        %add3A_602 = arith.constant 112 : i32
        %add3A_603 = arith.addi %mul3A_546, %add3A_602 : i32
        %get3A_604 = arith.index_cast %add3A_603 : i32 to index
        %get3A_605 = tpu.vector_load %arg4[%get3A_604] {strides = array<i32>} : memref<32768xf32, #tpu.memory_space<vmem>>, vector<16xf32>,
        %gt3A_606 = arith.cmpf ogt, %get3A_605, %scan3A_536 : vector<16xf32>
        %select_n3A_607 = arith.select %gt3A_606, %get3A_605, %scan3A_536 : vector<16xi1>, vector<16xf32>
        %broadcast_in_dim3A_608 = vector.broadcast %scan3A_528 : i32 to vector<16xi32>
        %select_n3A_609 = arith.select %gt3A_606, %broadcast_in_dim3A_608, %scan3A_544 : vector<16xi1>, vector<16xi32>
        scf.yield %select_n3A_551, %select_n3A_559, %select_n3A_567, %select_n3A_575, %select_n3A_583, %select_n3A_591, %select_n3A_599, %select_n3A_607, %select_n3A_553, %select_n3A_561, %select_n3A_569, %select_n3A_577, %select_n3A_585, %select_n3A_593, %select_n3A_601, %select_n3A_609 : vector<16xf32>, vector<16xf32>, vector<16xf32>, vector<16xf32>, vector<16xf32>, vector<16xf32>, vector<16xf32>, vector<16xf32>, vector<16xi32>, vector<16xi32>, vector<16xi32>, vector<16xi32>, vector<16xi32>, vector<16xi32>, vector<16xi32>, vector<16xi32>
      }
      %scan3A_171 = arith.constant 64 : i32
      %dma_wait3A_172 = arith.constant 24576 : i32
      %dma_wait3A_173 = tpu.memref_slice %arg4[%dma_wait3A_172] : memref<32768xf32, #tpu.memory_space<vmem>> -> memref<8192xf32, #tpu.memory_space<vmem>>
      %dma_wait3A_174 = arith.constant 24576 : i32
      %dma_wait3A_175 = tpu.memref_slice %arg2[%add3A_92, %dma_wait3A_174] : memref<128x32768xf32, #tpu.memory_space<hbm>> -> memref<1x8192xf32, #tpu.memory_space<hbm>>
      %dma_wait3A_176 = tpu.memref_squeeze %dma_wait3A_175 : memref<1x8192xf32, #tpu.memory_space<hbm>> -> memref<8192xf32, #tpu.memory_space<hbm>>
      %dma_wait3A_177 = arith.constant 24576 : i32
      %dma_wait3A_178 = tpu.memref_slice %arg4[%dma_wait3A_177] : memref<32768xf32, #tpu.memory_space<vmem>> -> memref<8192xf32, #tpu.memory_space<vmem>>
      %dma_wait3A_179 = arith.constant 24576 : i32
      %dma_wait3A_180 = tpu.memref_slice %arg2[%add3A_92, %dma_wait3A_179] : memref<128x32768xf32, #tpu.memory_space<hbm>> -> memref<1x8192xf32, #tpu.memory_space<hbm>>
      %dma_wait3A_181 = tpu.memref_squeeze %dma_wait3A_180 : memref<1x8192xf32, #tpu.memory_space<hbm>> -> memref<8192xf32, #tpu.memory_space<hbm>>
      tpu.wait_dma2 semaphore(%arg10 : memref<!tpu.dma_semaphore, #tpu.memory_space<semaphore_mem>>) src(%dma_wait3A_181 : memref<8192xf32, #tpu.memory_space<hbm>>) dst(%dma_wait3A_178 : memref<8192xf32, #tpu.memory_space<vmem>>)
      %scan3A_182 = arith.constant 192 : i32
      %scan3A_183 = arith.constant 64 : i32
      %scan3A_184 = arith.addi %scan3A_182, %scan3A_183 : i32
      %scan3A_185 = arith.constant 1 : i32
      %scan3A_186:16 = scf.for %scan3A_528 = %scan3A_182 to %scan3A_184 step %scan3A_185 iter_args(%scan3A_529 = %scan3A_170#0, %scan3A_530 = %scan3A_170#1, %scan3A_531 = %scan3A_170#2, %scan3A_532 = %scan3A_170#3, %scan3A_533 = %scan3A_170#4, %scan3A_534 = %scan3A_170#5, %scan3A_535 = %scan3A_170#6, %scan3A_536 = %scan3A_170#7, %scan3A_537 = %scan3A_170#8, %scan3A_538 = %scan3A_170#9, %scan3A_539 = %scan3A_170#10, %scan3A_540 = %scan3A_170#11, %scan3A_541 = %scan3A_170#12, %scan3A_542 = %scan3A_170#13, %scan3A_543 = %scan3A_170#14, %scan3A_544 = %scan3A_170#15) -> (vector<16xf32>, vector<16xf32>, vector<16xf32>, vector<16xf32>, vector<16xf32>, vector<16xf32>, vector<16xf32>, vector<16xf32>, vector<16xi32>, vector<16xi32>, vector<16xi32>, vector<16xi32>, vector<16xi32>, vector<16xi32>, vector<16xi32>, vector<16xi32>)  : i32 {
        %mul3A_545 = arith.constant 128 : i32
        %mul3A_546 = arith.muli %scan3A_528, %mul3A_545 : i32
        %add3A_547 = arith.constant 0 : i32
        %add3A_548 = arith.addi %mul3A_546, %add3A_547 : i32
        %get3A = arith.index_cast %add3A_548 : i32 to index
        %get3A_549 = tpu.vector_load %arg4[%get3A] {strides = array<i32>} : memref<32768xf32, #tpu.memory_space<vmem>>, vector<16xf32>,
        %gt3A_550 = arith.cmpf ogt, %get3A_549, %scan3A_529 : vector<16xf32>
        %select_n3A_551 = arith.select %gt3A_550, %get3A_549, %scan3A_529 : vector<16xi1>, vector<16xf32>
        %broadcast_in_dim3A_552 = vector.broadcast %scan3A_528 : i32 to vector<16xi32>
        %select_n3A_553 = arith.select %gt3A_550, %broadcast_in_dim3A_552, %scan3A_537 : vector<16xi1>, vector<16xi32>
        %add3A_554 = arith.constant 16 : i32
        %add3A_555 = arith.addi %mul3A_546, %add3A_554 : i32
        %get3A_556 = arith.index_cast %add3A_555 : i32 to index
        %get3A_557 = tpu.vector_load %arg4[%get3A_556] {strides = array<i32>} : memref<32768xf32, #tpu.memory_space<vmem>>, vector<16xf32>,
        %gt3A_558 = arith.cmpf ogt, %get3A_557, %scan3A_530 : vector<16xf32>
        %select_n3A_559 = arith.select %gt3A_558, %get3A_557, %scan3A_530 : vector<16xi1>, vector<16xf32>
        %broadcast_in_dim3A_560 = vector.broadcast %scan3A_528 : i32 to vector<16xi32>
        %select_n3A_561 = arith.select %gt3A_558, %broadcast_in_dim3A_560, %scan3A_538 : vector<16xi1>, vector<16xi32>
        %add3A_562 = arith.constant 32 : i32
        %add3A_563 = arith.addi %mul3A_546, %add3A_562 : i32
        %get3A_564 = arith.index_cast %add3A_563 : i32 to index
        %get3A_565 = tpu.vector_load %arg4[%get3A_564] {strides = array<i32>} : memref<32768xf32, #tpu.memory_space<vmem>>, vector<16xf32>,
        %gt3A_566 = arith.cmpf ogt, %get3A_565, %scan3A_531 : vector<16xf32>
        %select_n3A_567 = arith.select %gt3A_566, %get3A_565, %scan3A_531 : vector<16xi1>, vector<16xf32>
        %broadcast_in_dim3A_568 = vector.broadcast %scan3A_528 : i32 to vector<16xi32>
        %select_n3A_569 = arith.select %gt3A_566, %broadcast_in_dim3A_568, %scan3A_539 : vector<16xi1>, vector<16xi32>
        %add3A_570 = arith.constant 48 : i32
        %add3A_571 = arith.addi %mul3A_546, %add3A_570 : i32
        %get3A_572 = arith.index_cast %add3A_571 : i32 to index
        %get3A_573 = tpu.vector_load %arg4[%get3A_572] {strides = array<i32>} : memref<32768xf32, #tpu.memory_space<vmem>>, vector<16xf32>,
        %gt3A_574 = arith.cmpf ogt, %get3A_573, %scan3A_532 : vector<16xf32>
        %select_n3A_575 = arith.select %gt3A_574, %get3A_573, %scan3A_532 : vector<16xi1>, vector<16xf32>
        %broadcast_in_dim3A_576 = vector.broadcast %scan3A_528 : i32 to vector<16xi32>
        %select_n3A_577 = arith.select %gt3A_574, %broadcast_in_dim3A_576, %scan3A_540 : vector<16xi1>, vector<16xi32>
        %add3A_578 = arith.constant 64 : i32
        %add3A_579 = arith.addi %mul3A_546, %add3A_578 : i32
        %get3A_580 = arith.index_cast %add3A_579 : i32 to index
        %get3A_581 = tpu.vector_load %arg4[%get3A_580] {strides = array<i32>} : memref<32768xf32, #tpu.memory_space<vmem>>, vector<16xf32>,
        %gt3A_582 = arith.cmpf ogt, %get3A_581, %scan3A_533 : vector<16xf32>
        %select_n3A_583 = arith.select %gt3A_582, %get3A_581, %scan3A_533 : vector<16xi1>, vector<16xf32>
        %broadcast_in_dim3A_584 = vector.broadcast %scan3A_528 : i32 to vector<16xi32>
        %select_n3A_585 = arith.select %gt3A_582, %broadcast_in_dim3A_584, %scan3A_541 : vector<16xi1>, vector<16xi32>
        %add3A_586 = arith.constant 80 : i32
        %add3A_587 = arith.addi %mul3A_546, %add3A_586 : i32
        %get3A_588 = arith.index_cast %add3A_587 : i32 to index
        %get3A_589 = tpu.vector_load %arg4[%get3A_588] {strides = array<i32>} : memref<32768xf32, #tpu.memory_space<vmem>>, vector<16xf32>,
        %gt3A_590 = arith.cmpf ogt, %get3A_589, %scan3A_534 : vector<16xf32>
        %select_n3A_591 = arith.select %gt3A_590, %get3A_589, %scan3A_534 : vector<16xi1>, vector<16xf32>
        %broadcast_in_dim3A_592 = vector.broadcast %scan3A_528 : i32 to vector<16xi32>
        %select_n3A_593 = arith.select %gt3A_590, %broadcast_in_dim3A_592, %scan3A_542 : vector<16xi1>, vector<16xi32>
        %add3A_594 = arith.constant 96 : i32
        %add3A_595 = arith.addi %mul3A_546, %add3A_594 : i32
        %get3A_596 = arith.index_cast %add3A_595 : i32 to index
        %get3A_597 = tpu.vector_load %arg4[%get3A_596] {strides = array<i32>} : memref<32768xf32, #tpu.memory_space<vmem>>, vector<16xf32>,
        %gt3A_598 = arith.cmpf ogt, %get3A_597, %scan3A_535 : vector<16xf32>
        %select_n3A_599 = arith.select %gt3A_598, %get3A_597, %scan3A_535 : vector<16xi1>, vector<16xf32>
        %broadcast_in_dim3A_600 = vector.broadcast %scan3A_528 : i32 to vector<16xi32>
        %select_n3A_601 = arith.select %gt3A_598, %broadcast_in_dim3A_600, %scan3A_543 : vector<16xi1>, vector<16xi32>
        %add3A_602 = arith.constant 112 : i32
        %add3A_603 = arith.addi %mul3A_546, %add3A_602 : i32
        %get3A_604 = arith.index_cast %add3A_603 : i32 to index
        %get3A_605 = tpu.vector_load %arg4[%get3A_604] {strides = array<i32>} : memref<32768xf32, #tpu.memory_space<vmem>>, vector<16xf32>,
        %gt3A_606 = arith.cmpf ogt, %get3A_605, %scan3A_536 : vector<16xf32>
        %select_n3A_607 = arith.select %gt3A_606, %get3A_605, %scan3A_536 : vector<16xi1>, vector<16xf32>
        %broadcast_in_dim3A_608 = vector.broadcast %scan3A_528 : i32 to vector<16xi32>
        %select_n3A_609 = arith.select %gt3A_606, %broadcast_in_dim3A_608, %scan3A_544 : vector<16xi1>, vector<16xi32>
        scf.yield %select_n3A_551, %select_n3A_559, %select_n3A_567, %select_n3A_575, %select_n3A_583, %select_n3A_591, %select_n3A_599, %select_n3A_607, %select_n3A_553, %select_n3A_561, %select_n3A_569, %select_n3A_577, %select_n3A_585, %select_n3A_593, %select_n3A_601, %select_n3A_609 : vector<16xf32>, vector<16xf32>, vector<16xf32>, vector<16xf32>, vector<16xf32>, vector<16xf32>, vector<16xf32>, vector<16xf32>, vector<16xi32>, vector<16xi32>, vector<16xi32>, vector<16xi32>, vector<16xi32>, vector<16xi32>, vector<16xi32>, vector<16xi32>
      }
      %scan3A_187 = arith.constant 64 : i32
      %mul3A_188 = arith.constant 128 : i32
      %mul3A_189 = vector.broadcast %mul3A_188 : i32 to vector<16xi32>
      %mul3A_190 = arith.muli %scan3A_186#8, %mul3A_189 : vector<16xi32>
      %add3A_191 = arith.addi %mul3A_190, %iota3A_93 : vector<16xi32>
      %mul3A_192 = arith.constant 128 : i32
      %mul3A_193 = vector.broadcast %mul3A_192 : i32 to vector<16xi32>
      %mul3A_194 = arith.muli %scan3A_186#9, %mul3A_193 : vector<16xi32>
      %add3A_195 = arith.constant 16 : i32
      %add3A_196 = vector.broadcast %add3A_195 : i32 to vector<16xi32>
      %add3A_197 = arith.addi %mul3A_194, %add3A_196 : vector<16xi32>
      %add3A_198 = arith.addi %add3A_197, %iota3A_93 : vector<16xi32>
      %gt3A = arith.cmpf ogt, %scan3A_186#1, %scan3A_186#0 : vector<16xf32>
      %eq3A = arith.cmpf oeq, %scan3A_186#1, %scan3A_186#0 : vector<16xf32>
      %lt3A_199 = arith.cmpi slt, %add3A_198, %add3A_191 : vector<16xi32>
      %and3A = arith.andi %eq3A, %lt3A_199 : vector<16xi1>
      %or3A = arith.ori %gt3A, %and3A : vector<16xi1>
      %select_n3A = arith.select %or3A, %scan3A_186#1, %scan3A_186#0 : vector<16xi1>, vector<16xf32>
      %select_n3A_200 = arith.select %or3A, %add3A_198, %add3A_191 : vector<16xi1>, vector<16xi32>
      %mul3A_201 = arith.constant 128 : i32
      %mul3A_202 = vector.broadcast %mul3A_201 : i32 to vector<16xi32>
      %mul3A_203 = arith.muli %scan3A_186#10, %mul3A_202 : vector<16xi32>
      %add3A_204 = arith.constant 32 : i32
      %add3A_205 = vector.broadcast %add3A_204 : i32 to vector<16xi32>
      %add3A_206 = arith.addi %mul3A_203, %add3A_205 : vector<16xi32>
      %add3A_207 = arith.addi %add3A_206, %iota3A_93 : vector<16xi32>
      %gt3A_208 = arith.cmpf ogt, %scan3A_186#2, %select_n3A : vector<16xf32>
      %eq3A_209 = arith.cmpf oeq, %scan3A_186#2, %select_n3A : vector<16xf32>
      %lt3A_210 = arith.cmpi slt, %add3A_207, %select_n3A_200 : vector<16xi32>
      %and3A_211 = arith.andi %eq3A_209, %lt3A_210 : vector<16xi1>
      %or3A_212 = arith.ori %gt3A_208, %and3A_211 : vector<16xi1>
      %select_n3A_213 = arith.select %or3A_212, %scan3A_186#2, %select_n3A : vector<16xi1>, vector<16xf32>
      %select_n3A_214 = arith.select %or3A_212, %add3A_207, %select_n3A_200 : vector<16xi1>, vector<16xi32>
      %mul3A_215 = arith.constant 128 : i32
      %mul3A_216 = vector.broadcast %mul3A_215 : i32 to vector<16xi32>
      %mul3A_217 = arith.muli %scan3A_186#11, %mul3A_216 : vector<16xi32>
      %add3A_218 = arith.constant 48 : i32
      %add3A_219 = vector.broadcast %add3A_218 : i32 to vector<16xi32>
      %add3A_220 = arith.addi %mul3A_217, %add3A_219 : vector<16xi32>
      %add3A_221 = arith.addi %add3A_220, %iota3A_93 : vector<16xi32>
      %gt3A_222 = arith.cmpf ogt, %scan3A_186#3, %select_n3A_213 : vector<16xf32>
      %eq3A_223 = arith.cmpf oeq, %scan3A_186#3, %select_n3A_213 : vector<16xf32>
      %lt3A_224 = arith.cmpi slt, %add3A_221, %select_n3A_214 : vector<16xi32>
      %and3A_225 = arith.andi %eq3A_223, %lt3A_224 : vector<16xi1>
      %or3A_226 = arith.ori %gt3A_222, %and3A_225 : vector<16xi1>
      %select_n3A_227 = arith.select %or3A_226, %scan3A_186#3, %select_n3A_213 : vector<16xi1>, vector<16xf32>
      %select_n3A_228 = arith.select %or3A_226, %add3A_221, %select_n3A_214 : vector<16xi1>, vector<16xi32>
      %mul3A_229 = arith.constant 128 : i32
      %mul3A_230 = vector.broadcast %mul3A_229 : i32 to vector<16xi32>
      %mul3A_231 = arith.muli %scan3A_186#12, %mul3A_230 : vector<16xi32>
      %add3A_232 = arith.constant 64 : i32
      %add3A_233 = vector.broadcast %add3A_232 : i32 to vector<16xi32>
      %add3A_234 = arith.addi %mul3A_231, %add3A_233 : vector<16xi32>
      %add3A_235 = arith.addi %add3A_234, %iota3A_93 : vector<16xi32>
      %gt3A_236 = arith.cmpf ogt, %scan3A_186#4, %select_n3A_227 : vector<16xf32>
      %eq3A_237 = arith.cmpf oeq, %scan3A_186#4, %select_n3A_227 : vector<16xf32>
      %lt3A_238 = arith.cmpi slt, %add3A_235, %select_n3A_228 : vector<16xi32>
      %and3A_239 = arith.andi %eq3A_237, %lt3A_238 : vector<16xi1>
      %or3A_240 = arith.ori %gt3A_236, %and3A_239 : vector<16xi1>
      %select_n3A_241 = arith.select %or3A_240, %scan3A_186#4, %select_n3A_227 : vector<16xi1>, vector<16xf32>
      %select_n3A_242 = arith.select %or3A_240, %add3A_235, %select_n3A_228 : vector<16xi1>, vector<16xi32>
      %mul3A_243 = arith.constant 128 : i32
      %mul3A_244 = vector.broadcast %mul3A_243 : i32 to vector<16xi32>
      %mul3A_245 = arith.muli %scan3A_186#13, %mul3A_244 : vector<16xi32>
      %add3A_246 = arith.constant 80 : i32
      %add3A_247 = vector.broadcast %add3A_246 : i32 to vector<16xi32>
      %add3A_248 = arith.addi %mul3A_245, %add3A_247 : vector<16xi32>
      %add3A_249 = arith.addi %add3A_248, %iota3A_93 : vector<16xi32>
      %gt3A_250 = arith.cmpf ogt, %scan3A_186#5, %select_n3A_241 : vector<16xf32>
      %eq3A_251 = arith.cmpf oeq, %scan3A_186#5, %select_n3A_241 : vector<16xf32>
      %lt3A_252 = arith.cmpi slt, %add3A_249, %select_n3A_242 : vector<16xi32>
      %and3A_253 = arith.andi %eq3A_251, %lt3A_252 : vector<16xi1>
      %or3A_254 = arith.ori %gt3A_250, %and3A_253 : vector<16xi1>
      %select_n3A_255 = arith.select %or3A_254, %scan3A_186#5, %select_n3A_241 : vector<16xi1>, vector<16xf32>
      %select_n3A_256 = arith.select %or3A_254, %add3A_249, %select_n3A_242 : vector<16xi1>, vector<16xi32>
      %mul3A_257 = arith.constant 128 : i32
      %mul3A_258 = vector.broadcast %mul3A_257 : i32 to vector<16xi32>
      %mul3A_259 = arith.muli %scan3A_186#14, %mul3A_258 : vector<16xi32>
      %add3A_260 = arith.constant 96 : i32
      %add3A_261 = vector.broadcast %add3A_260 : i32 to vector<16xi32>
      %add3A_262 = arith.addi %mul3A_259, %add3A_261 : vector<16xi32>
      %add3A_263 = arith.addi %add3A_262, %iota3A_93 : vector<16xi32>
      %gt3A_264 = arith.cmpf ogt, %scan3A_186#6, %select_n3A_255 : vector<16xf32>
      %eq3A_265 = arith.cmpf oeq, %scan3A_186#6, %select_n3A_255 : vector<16xf32>
      %lt3A_266 = arith.cmpi slt, %add3A_263, %select_n3A_256 : vector<16xi32>
      %and3A_267 = arith.andi %eq3A_265, %lt3A_266 : vector<16xi1>
      %or3A_268 = arith.ori %gt3A_264, %and3A_267 : vector<16xi1>
      %select_n3A_269 = arith.select %or3A_268, %scan3A_186#6, %select_n3A_255 : vector<16xi1>, vector<16xf32>
      %select_n3A_270 = arith.select %or3A_268, %add3A_263, %select_n3A_256 : vector<16xi1>, vector<16xi32>
      %mul3A_271 = arith.constant 128 : i32
      %mul3A_272 = vector.broadcast %mul3A_271 : i32 to vector<16xi32>
      %mul3A_273 = arith.muli %scan3A_186#15, %mul3A_272 : vector<16xi32>
      %add3A_274 = arith.constant 112 : i32
      %add3A_275 = vector.broadcast %add3A_274 : i32 to vector<16xi32>
      %add3A_276 = arith.addi %mul3A_273, %add3A_275 : vector<16xi32>
      %add3A_277 = arith.addi %add3A_276, %iota3A_93 : vector<16xi32>
      %gt3A_278 = arith.cmpf ogt, %scan3A_186#7, %select_n3A_269 : vector<16xf32>
      %eq3A_279 = arith.cmpf oeq, %scan3A_186#7, %select_n3A_269 : vector<16xf32>
      %lt3A_280 = arith.cmpi slt, %add3A_277, %select_n3A_270 : vector<16xi32>
      %and3A_281 = arith.andi %eq3A_279, %lt3A_280 : vector<16xi1>
      %or3A_282 = arith.ori %gt3A_278, %and3A_281 : vector<16xi1>
      %select_n3A_283 = arith.select %or3A_282, %scan3A_186#7, %select_n3A_269 : vector<16xi1>, vector<16xf32>
      %select_n3A_284 = arith.select %or3A_282, %add3A_277, %select_n3A_270 : vector<16xi1>, vector<16xi32>
      %reduce_max3A = arith.constant true
      %reduce_max3A_285 = vector.broadcast %reduce_max3A : i1 to vector<16xi1>
      %reduce_max3A_286 = tpu.scan <max>, %select_n3A_283 masked %reduce_max3A_285 : vector<16xf32>, vector<16xi1> -> vector<16xf32>
      %reduce_max3A_287 = vector.extract %reduce_max3A_286[15] : f32 from vector<16xf32>
      %eq3A_288 = vector.broadcast %reduce_max3A_287 : f32 to vector<16xf32>
      %eq3A_289 = arith.cmpf oeq, %select_n3A_283, %eq3A_288 : vector<16xf32>
      %jit3A = arith.constant 2147483647 : i32
      %broadcast_in_dim3A_290 = vector.broadcast %jit3A : i32 to vector<16xi32>
      %select_n3A_291 = arith.select %eq3A_289, %select_n3A_284, %broadcast_in_dim3A_290 : vector<16xi1>, vector<16xi32>
      %reduce_min3A = arith.constant true
      %reduce_min3A_292 = vector.broadcast %reduce_min3A : i1 to vector<16xi1>
      %reduce_min3A_293 = arith.constant -2147483648 : i32
      %reduce_min3A_294 = vector.broadcast %reduce_min3A_293 : i32 to vector<16xi32>
      %reduce_min3A_295 = arith.xori %select_n3A_291, %reduce_min3A_294 : vector<16xi32>
      %reduce_min3A_296 = tpu.scan <min>, %reduce_min3A_295 masked %reduce_min3A_292 : vector<16xi32>, vector<16xi1> -> vector<16xi32>
      %reduce_min3A_297 = arith.xori %reduce_min3A_296, %reduce_min3A_294 : vector<16xi32>
      %reduce_min3A_298 = vector.extract %reduce_min3A_297[15] : i32 from vector<16xi32>
      %eq3A_299 = arith.constant 0 : i32
      %eq3A_300 = vector.broadcast %eq3A_299 : i32 to vector<16xi32>
      %eq3A_301 = arith.cmpi eq, %iota3A, %eq3A_300 : vector<16xi32>
      %broadcast_in_dim3A_302 = vector.broadcast %reduce_min3A_298 : i32 to vector<16xi32>
      %select_n3A_303 = arith.select %eq3A_301, %broadcast_in_dim3A_302, %broadcast_in_dim3A_46 : vector<16xi1>, vector<16xi32>
      %add3A_304 = arith.constant 1 : i32
      %add3A_305 = arith.addi %add3A_4, %add3A_304 : i32
      %iota3A_306 = tpu.iota {dimensions = array<i32: 0>} : vector<16xi32>
      %broadcast_in_dim3A_307 = arith.constant 0xFF800000 : f32
      %broadcast_in_dim3A_308 = vector.broadcast %broadcast_in_dim3A_307 : f32 to vector<16xf32>
      %broadcast_in_dim3A_309 = arith.constant 0xFF800000 : f32
      %broadcast_in_dim3A_310 = vector.broadcast %broadcast_in_dim3A_309 : f32 to vector<16xf32>
      %broadcast_in_dim3A_311 = arith.constant 0xFF800000 : f32
      %broadcast_in_dim3A_312 = vector.broadcast %broadcast_in_dim3A_311 : f32 to vector<16xf32>
      %broadcast_in_dim3A_313 = arith.constant 0xFF800000 : f32
      %broadcast_in_dim3A_314 = vector.broadcast %broadcast_in_dim3A_313 : f32 to vector<16xf32>
      %broadcast_in_dim3A_315 = arith.constant 0xFF800000 : f32
      %broadcast_in_dim3A_316 = vector.broadcast %broadcast_in_dim3A_315 : f32 to vector<16xf32>
      %broadcast_in_dim3A_317 = arith.constant 0xFF800000 : f32
      %broadcast_in_dim3A_318 = vector.broadcast %broadcast_in_dim3A_317 : f32 to vector<16xf32>
      %broadcast_in_dim3A_319 = arith.constant 0xFF800000 : f32
      %broadcast_in_dim3A_320 = vector.broadcast %broadcast_in_dim3A_319 : f32 to vector<16xf32>
      %broadcast_in_dim3A_321 = arith.constant 0xFF800000 : f32
      %broadcast_in_dim3A_322 = vector.broadcast %broadcast_in_dim3A_321 : f32 to vector<16xf32>
      %broadcast_in_dim3A_323 = arith.constant 0 : i32
      %broadcast_in_dim3A_324 = vector.broadcast %broadcast_in_dim3A_323 : i32 to vector<16xi32>
      %broadcast_in_dim3A_325 = arith.constant 0 : i32
      %broadcast_in_dim3A_326 = vector.broadcast %broadcast_in_dim3A_325 : i32 to vector<16xi32>
      %broadcast_in_dim3A_327 = arith.constant 0 : i32
      %broadcast_in_dim3A_328 = vector.broadcast %broadcast_in_dim3A_327 : i32 to vector<16xi32>
      %broadcast_in_dim3A_329 = arith.constant 0 : i32
      %broadcast_in_dim3A_330 = vector.broadcast %broadcast_in_dim3A_329 : i32 to vector<16xi32>
      %broadcast_in_dim3A_331 = arith.constant 0 : i32
      %broadcast_in_dim3A_332 = vector.broadcast %broadcast_in_dim3A_331 : i32 to vector<16xi32>
      %broadcast_in_dim3A_333 = arith.constant 0 : i32
      %broadcast_in_dim3A_334 = vector.broadcast %broadcast_in_dim3A_333 : i32 to vector<16xi32>
      %broadcast_in_dim3A_335 = arith.constant 0 : i32
      %broadcast_in_dim3A_336 = vector.broadcast %broadcast_in_dim3A_335 : i32 to vector<16xi32>
      %broadcast_in_dim3A_337 = arith.constant 0 : i32
      %broadcast_in_dim3A_338 = vector.broadcast %broadcast_in_dim3A_337 : i32 to vector<16xi32>
      %dma_wait3A_339 = arith.constant 0 : i32
      %dma_wait3A_340 = tpu.memref_slice %arg5[%dma_wait3A_339] : memref<32768xf32, #tpu.memory_space<vmem>> -> memref<8192xf32, #tpu.memory_space<vmem>>
      %dma_wait3A_341 = arith.constant 0 : i32
      %dma_wait3A_342 = tpu.memref_slice %arg2[%add3A_305, %dma_wait3A_341] : memref<128x32768xf32, #tpu.memory_space<hbm>> -> memref<1x8192xf32, #tpu.memory_space<hbm>>
      %dma_wait3A_343 = tpu.memref_squeeze %dma_wait3A_342 : memref<1x8192xf32, #tpu.memory_space<hbm>> -> memref<8192xf32, #tpu.memory_space<hbm>>
      %dma_wait3A_344 = arith.constant 0 : i32
      %dma_wait3A_345 = tpu.memref_slice %arg5[%dma_wait3A_344] : memref<32768xf32, #tpu.memory_space<vmem>> -> memref<8192xf32, #tpu.memory_space<vmem>>
      %dma_wait3A_346 = arith.constant 0 : i32
      %dma_wait3A_347 = tpu.memref_slice %arg2[%add3A_305, %dma_wait3A_346] : memref<128x32768xf32, #tpu.memory_space<hbm>> -> memref<1x8192xf32, #tpu.memory_space<hbm>>
      %dma_wait3A_348 = tpu.memref_squeeze %dma_wait3A_347 : memref<1x8192xf32, #tpu.memory_space<hbm>> -> memref<8192xf32, #tpu.memory_space<hbm>>
      tpu.wait_dma2 semaphore(%arg11 : memref<!tpu.dma_semaphore, #tpu.memory_space<semaphore_mem>>) src(%dma_wait3A_348 : memref<8192xf32, #tpu.memory_space<hbm>>) dst(%dma_wait3A_345 : memref<8192xf32, #tpu.memory_space<vmem>>)
      %scan3A_349 = arith.constant 0 : i32
      %scan3A_350 = arith.constant 64 : i32
      %scan3A_351 = arith.addi %scan3A_349, %scan3A_350 : i32
      %scan3A_352 = arith.constant 1 : i32
      %scan3A_353:16 = scf.for %scan3A_528 = %scan3A_349 to %scan3A_351 step %scan3A_352 iter_args(%scan3A_529 = %broadcast_in_dim3A_308, %scan3A_530 = %broadcast_in_dim3A_310, %scan3A_531 = %broadcast_in_dim3A_312, %scan3A_532 = %broadcast_in_dim3A_314, %scan3A_533 = %broadcast_in_dim3A_316, %scan3A_534 = %broadcast_in_dim3A_318, %scan3A_535 = %broadcast_in_dim3A_320, %scan3A_536 = %broadcast_in_dim3A_322, %scan3A_537 = %broadcast_in_dim3A_324, %scan3A_538 = %broadcast_in_dim3A_326, %scan3A_539 = %broadcast_in_dim3A_328, %scan3A_540 = %broadcast_in_dim3A_330, %scan3A_541 = %broadcast_in_dim3A_332, %scan3A_542 = %broadcast_in_dim3A_334, %scan3A_543 = %broadcast_in_dim3A_336, %scan3A_544 = %broadcast_in_dim3A_338) -> (vector<16xf32>, vector<16xf32>, vector<16xf32>, vector<16xf32>, vector<16xf32>, vector<16xf32>, vector<16xf32>, vector<16xf32>, vector<16xi32>, vector<16xi32>, vector<16xi32>, vector<16xi32>, vector<16xi32>, vector<16xi32>, vector<16xi32>, vector<16xi32>)  : i32 {
        %mul3A_545 = arith.constant 128 : i32
        %mul3A_546 = arith.muli %scan3A_528, %mul3A_545 : i32
        %add3A_547 = arith.constant 0 : i32
        %add3A_548 = arith.addi %mul3A_546, %add3A_547 : i32
        %get3A = arith.index_cast %add3A_548 : i32 to index
        %get3A_549 = tpu.vector_load %arg5[%get3A] {strides = array<i32>} : memref<32768xf32, #tpu.memory_space<vmem>>, vector<16xf32>,
        %gt3A_550 = arith.cmpf ogt, %get3A_549, %scan3A_529 : vector<16xf32>
        %select_n3A_551 = arith.select %gt3A_550, %get3A_549, %scan3A_529 : vector<16xi1>, vector<16xf32>
        %broadcast_in_dim3A_552 = vector.broadcast %scan3A_528 : i32 to vector<16xi32>
        %select_n3A_553 = arith.select %gt3A_550, %broadcast_in_dim3A_552, %scan3A_537 : vector<16xi1>, vector<16xi32>
        %add3A_554 = arith.constant 16 : i32
        %add3A_555 = arith.addi %mul3A_546, %add3A_554 : i32
        %get3A_556 = arith.index_cast %add3A_555 : i32 to index
        %get3A_557 = tpu.vector_load %arg5[%get3A_556] {strides = array<i32>} : memref<32768xf32, #tpu.memory_space<vmem>>, vector<16xf32>,
        %gt3A_558 = arith.cmpf ogt, %get3A_557, %scan3A_530 : vector<16xf32>
        %select_n3A_559 = arith.select %gt3A_558, %get3A_557, %scan3A_530 : vector<16xi1>, vector<16xf32>
        %broadcast_in_dim3A_560 = vector.broadcast %scan3A_528 : i32 to vector<16xi32>
        %select_n3A_561 = arith.select %gt3A_558, %broadcast_in_dim3A_560, %scan3A_538 : vector<16xi1>, vector<16xi32>
        %add3A_562 = arith.constant 32 : i32
        %add3A_563 = arith.addi %mul3A_546, %add3A_562 : i32
        %get3A_564 = arith.index_cast %add3A_563 : i32 to index
        %get3A_565 = tpu.vector_load %arg5[%get3A_564] {strides = array<i32>} : memref<32768xf32, #tpu.memory_space<vmem>>, vector<16xf32>,
        %gt3A_566 = arith.cmpf ogt, %get3A_565, %scan3A_531 : vector<16xf32>
        %select_n3A_567 = arith.select %gt3A_566, %get3A_565, %scan3A_531 : vector<16xi1>, vector<16xf32>
        %broadcast_in_dim3A_568 = vector.broadcast %scan3A_528 : i32 to vector<16xi32>
        %select_n3A_569 = arith.select %gt3A_566, %broadcast_in_dim3A_568, %scan3A_539 : vector<16xi1>, vector<16xi32>
        %add3A_570 = arith.constant 48 : i32
        %add3A_571 = arith.addi %mul3A_546, %add3A_570 : i32
        %get3A_572 = arith.index_cast %add3A_571 : i32 to index
        %get3A_573 = tpu.vector_load %arg5[%get3A_572] {strides = array<i32>} : memref<32768xf32, #tpu.memory_space<vmem>>, vector<16xf32>,
        %gt3A_574 = arith.cmpf ogt, %get3A_573, %scan3A_532 : vector<16xf32>
        %select_n3A_575 = arith.select %gt3A_574, %get3A_573, %scan3A_532 : vector<16xi1>, vector<16xf32>
        %broadcast_in_dim3A_576 = vector.broadcast %scan3A_528 : i32 to vector<16xi32>
        %select_n3A_577 = arith.select %gt3A_574, %broadcast_in_dim3A_576, %scan3A_540 : vector<16xi1>, vector<16xi32>
        %add3A_578 = arith.constant 64 : i32
        %add3A_579 = arith.addi %mul3A_546, %add3A_578 : i32
        %get3A_580 = arith.index_cast %add3A_579 : i32 to index
        %get3A_581 = tpu.vector_load %arg5[%get3A_580] {strides = array<i32>} : memref<32768xf32, #tpu.memory_space<vmem>>, vector<16xf32>,
        %gt3A_582 = arith.cmpf ogt, %get3A_581, %scan3A_533 : vector<16xf32>
        %select_n3A_583 = arith.select %gt3A_582, %get3A_581, %scan3A_533 : vector<16xi1>, vector<16xf32>
        %broadcast_in_dim3A_584 = vector.broadcast %scan3A_528 : i32 to vector<16xi32>
        %select_n3A_585 = arith.select %gt3A_582, %broadcast_in_dim3A_584, %scan3A_541 : vector<16xi1>, vector<16xi32>
        %add3A_586 = arith.constant 80 : i32
        %add3A_587 = arith.addi %mul3A_546, %add3A_586 : i32
        %get3A_588 = arith.index_cast %add3A_587 : i32 to index
        %get3A_589 = tpu.vector_load %arg5[%get3A_588] {strides = array<i32>} : memref<32768xf32, #tpu.memory_space<vmem>>, vector<16xf32>,
        %gt3A_590 = arith.cmpf ogt, %get3A_589, %scan3A_534 : vector<16xf32>
        %select_n3A_591 = arith.select %gt3A_590, %get3A_589, %scan3A_534 : vector<16xi1>, vector<16xf32>
        %broadcast_in_dim3A_592 = vector.broadcast %scan3A_528 : i32 to vector<16xi32>
        %select_n3A_593 = arith.select %gt3A_590, %broadcast_in_dim3A_592, %scan3A_542 : vector<16xi1>, vector<16xi32>
        %add3A_594 = arith.constant 96 : i32
        %add3A_595 = arith.addi %mul3A_546, %add3A_594 : i32
        %get3A_596 = arith.index_cast %add3A_595 : i32 to index
        %get3A_597 = tpu.vector_load %arg5[%get3A_596] {strides = array<i32>} : memref<32768xf32, #tpu.memory_space<vmem>>, vector<16xf32>,
        %gt3A_598 = arith.cmpf ogt, %get3A_597, %scan3A_535 : vector<16xf32>
        %select_n3A_599 = arith.select %gt3A_598, %get3A_597, %scan3A_535 : vector<16xi1>, vector<16xf32>
        %broadcast_in_dim3A_600 = vector.broadcast %scan3A_528 : i32 to vector<16xi32>
        %select_n3A_601 = arith.select %gt3A_598, %broadcast_in_dim3A_600, %scan3A_543 : vector<16xi1>, vector<16xi32>
        %add3A_602 = arith.constant 112 : i32
        %add3A_603 = arith.addi %mul3A_546, %add3A_602 : i32
        %get3A_604 = arith.index_cast %add3A_603 : i32 to index
        %get3A_605 = tpu.vector_load %arg5[%get3A_604] {strides = array<i32>} : memref<32768xf32, #tpu.memory_space<vmem>>, vector<16xf32>,
        %gt3A_606 = arith.cmpf ogt, %get3A_605, %scan3A_536 : vector<16xf32>
        %select_n3A_607 = arith.select %gt3A_606, %get3A_605, %scan3A_536 : vector<16xi1>, vector<16xf32>
        %broadcast_in_dim3A_608 = vector.broadcast %scan3A_528 : i32 to vector<16xi32>
        %select_n3A_609 = arith.select %gt3A_606, %broadcast_in_dim3A_608, %scan3A_544 : vector<16xi1>, vector<16xi32>
        scf.yield %select_n3A_551, %select_n3A_559, %select_n3A_567, %select_n3A_575, %select_n3A_583, %select_n3A_591, %select_n3A_599, %select_n3A_607, %select_n3A_553, %select_n3A_561, %select_n3A_569, %select_n3A_577, %select_n3A_585, %select_n3A_593, %select_n3A_601, %select_n3A_609 : vector<16xf32>, vector<16xf32>, vector<16xf32>, vector<16xf32>, vector<16xf32>, vector<16xf32>, vector<16xf32>, vector<16xf32>, vector<16xi32>, vector<16xi32>, vector<16xi32>, vector<16xi32>, vector<16xi32>, vector<16xi32>, vector<16xi32>, vector<16xi32>
      }
      %scan3A_354 = arith.constant 64 : i32
      %dma_wait3A_355 = arith.constant 8192 : i32
      %dma_wait3A_356 = tpu.memref_slice %arg5[%dma_wait3A_355] : memref<32768xf32, #tpu.memory_space<vmem>> -> memref<8192xf32, #tpu.memory_space<vmem>>
      %dma_wait3A_357 = arith.constant 8192 : i32
      %dma_wait3A_358 = tpu.memref_slice %arg2[%add3A_305, %dma_wait3A_357] : memref<128x32768xf32, #tpu.memory_space<hbm>> -> memref<1x8192xf32, #tpu.memory_space<hbm>>
      %dma_wait3A_359 = tpu.memref_squeeze %dma_wait3A_358 : memref<1x8192xf32, #tpu.memory_space<hbm>> -> memref<8192xf32, #tpu.memory_space<hbm>>
      %dma_wait3A_360 = arith.constant 8192 : i32
      %dma_wait3A_361 = tpu.memref_slice %arg5[%dma_wait3A_360] : memref<32768xf32, #tpu.memory_space<vmem>> -> memref<8192xf32, #tpu.memory_space<vmem>>
      %dma_wait3A_362 = arith.constant 8192 : i32
      %dma_wait3A_363 = tpu.memref_slice %arg2[%add3A_305, %dma_wait3A_362] : memref<128x32768xf32, #tpu.memory_space<hbm>> -> memref<1x8192xf32, #tpu.memory_space<hbm>>
      %dma_wait3A_364 = tpu.memref_squeeze %dma_wait3A_363 : memref<1x8192xf32, #tpu.memory_space<hbm>> -> memref<8192xf32, #tpu.memory_space<hbm>>
      tpu.wait_dma2 semaphore(%arg12 : memref<!tpu.dma_semaphore, #tpu.memory_space<semaphore_mem>>) src(%dma_wait3A_364 : memref<8192xf32, #tpu.memory_space<hbm>>) dst(%dma_wait3A_361 : memref<8192xf32, #tpu.memory_space<vmem>>)
      %scan3A_365 = arith.constant 64 : i32
      %scan3A_366 = arith.constant 64 : i32
      %scan3A_367 = arith.addi %scan3A_365, %scan3A_366 : i32
      %scan3A_368 = arith.constant 1 : i32
      %scan3A_369:16 = scf.for %scan3A_528 = %scan3A_365 to %scan3A_367 step %scan3A_368 iter_args(%scan3A_529 = %scan3A_353#0, %scan3A_530 = %scan3A_353#1, %scan3A_531 = %scan3A_353#2, %scan3A_532 = %scan3A_353#3, %scan3A_533 = %scan3A_353#4, %scan3A_534 = %scan3A_353#5, %scan3A_535 = %scan3A_353#6, %scan3A_536 = %scan3A_353#7, %scan3A_537 = %scan3A_353#8, %scan3A_538 = %scan3A_353#9, %scan3A_539 = %scan3A_353#10, %scan3A_540 = %scan3A_353#11, %scan3A_541 = %scan3A_353#12, %scan3A_542 = %scan3A_353#13, %scan3A_543 = %scan3A_353#14, %scan3A_544 = %scan3A_353#15) -> (vector<16xf32>, vector<16xf32>, vector<16xf32>, vector<16xf32>, vector<16xf32>, vector<16xf32>, vector<16xf32>, vector<16xf32>, vector<16xi32>, vector<16xi32>, vector<16xi32>, vector<16xi32>, vector<16xi32>, vector<16xi32>, vector<16xi32>, vector<16xi32>)  : i32 {
        %mul3A_545 = arith.constant 128 : i32
        %mul3A_546 = arith.muli %scan3A_528, %mul3A_545 : i32
        %add3A_547 = arith.constant 0 : i32
        %add3A_548 = arith.addi %mul3A_546, %add3A_547 : i32
        %get3A = arith.index_cast %add3A_548 : i32 to index
        %get3A_549 = tpu.vector_load %arg5[%get3A] {strides = array<i32>} : memref<32768xf32, #tpu.memory_space<vmem>>, vector<16xf32>,
        %gt3A_550 = arith.cmpf ogt, %get3A_549, %scan3A_529 : vector<16xf32>
        %select_n3A_551 = arith.select %gt3A_550, %get3A_549, %scan3A_529 : vector<16xi1>, vector<16xf32>
        %broadcast_in_dim3A_552 = vector.broadcast %scan3A_528 : i32 to vector<16xi32>
        %select_n3A_553 = arith.select %gt3A_550, %broadcast_in_dim3A_552, %scan3A_537 : vector<16xi1>, vector<16xi32>
        %add3A_554 = arith.constant 16 : i32
        %add3A_555 = arith.addi %mul3A_546, %add3A_554 : i32
        %get3A_556 = arith.index_cast %add3A_555 : i32 to index
        %get3A_557 = tpu.vector_load %arg5[%get3A_556] {strides = array<i32>} : memref<32768xf32, #tpu.memory_space<vmem>>, vector<16xf32>,
        %gt3A_558 = arith.cmpf ogt, %get3A_557, %scan3A_530 : vector<16xf32>
        %select_n3A_559 = arith.select %gt3A_558, %get3A_557, %scan3A_530 : vector<16xi1>, vector<16xf32>
        %broadcast_in_dim3A_560 = vector.broadcast %scan3A_528 : i32 to vector<16xi32>
        %select_n3A_561 = arith.select %gt3A_558, %broadcast_in_dim3A_560, %scan3A_538 : vector<16xi1>, vector<16xi32>
        %add3A_562 = arith.constant 32 : i32
        %add3A_563 = arith.addi %mul3A_546, %add3A_562 : i32
        %get3A_564 = arith.index_cast %add3A_563 : i32 to index
        %get3A_565 = tpu.vector_load %arg5[%get3A_564] {strides = array<i32>} : memref<32768xf32, #tpu.memory_space<vmem>>, vector<16xf32>,
        %gt3A_566 = arith.cmpf ogt, %get3A_565, %scan3A_531 : vector<16xf32>
        %select_n3A_567 = arith.select %gt3A_566, %get3A_565, %scan3A_531 : vector<16xi1>, vector<16xf32>
        %broadcast_in_dim3A_568 = vector.broadcast %scan3A_528 : i32 to vector<16xi32>
        %select_n3A_569 = arith.select %gt3A_566, %broadcast_in_dim3A_568, %scan3A_539 : vector<16xi1>, vector<16xi32>
        %add3A_570 = arith.constant 48 : i32
        %add3A_571 = arith.addi %mul3A_546, %add3A_570 : i32
        %get3A_572 = arith.index_cast %add3A_571 : i32 to index
        %get3A_573 = tpu.vector_load %arg5[%get3A_572] {strides = array<i32>} : memref<32768xf32, #tpu.memory_space<vmem>>, vector<16xf32>,
        %gt3A_574 = arith.cmpf ogt, %get3A_573, %scan3A_532 : vector<16xf32>
        %select_n3A_575 = arith.select %gt3A_574, %get3A_573, %scan3A_532 : vector<16xi1>, vector<16xf32>
        %broadcast_in_dim3A_576 = vector.broadcast %scan3A_528 : i32 to vector<16xi32>
        %select_n3A_577 = arith.select %gt3A_574, %broadcast_in_dim3A_576, %scan3A_540 : vector<16xi1>, vector<16xi32>
        %add3A_578 = arith.constant 64 : i32
        %add3A_579 = arith.addi %mul3A_546, %add3A_578 : i32
        %get3A_580 = arith.index_cast %add3A_579 : i32 to index
        %get3A_581 = tpu.vector_load %arg5[%get3A_580] {strides = array<i32>} : memref<32768xf32, #tpu.memory_space<vmem>>, vector<16xf32>,
        %gt3A_582 = arith.cmpf ogt, %get3A_581, %scan3A_533 : vector<16xf32>
        %select_n3A_583 = arith.select %gt3A_582, %get3A_581, %scan3A_533 : vector<16xi1>, vector<16xf32>
        %broadcast_in_dim3A_584 = vector.broadcast %scan3A_528 : i32 to vector<16xi32>
        %select_n3A_585 = arith.select %gt3A_582, %broadcast_in_dim3A_584, %scan3A_541 : vector<16xi1>, vector<16xi32>
        %add3A_586 = arith.constant 80 : i32
        %add3A_587 = arith.addi %mul3A_546, %add3A_586 : i32
        %get3A_588 = arith.index_cast %add3A_587 : i32 to index
        %get3A_589 = tpu.vector_load %arg5[%get3A_588] {strides = array<i32>} : memref<32768xf32, #tpu.memory_space<vmem>>, vector<16xf32>,
        %gt3A_590 = arith.cmpf ogt, %get3A_589, %scan3A_534 : vector<16xf32>
        %select_n3A_591 = arith.select %gt3A_590, %get3A_589, %scan3A_534 : vector<16xi1>, vector<16xf32>
        %broadcast_in_dim3A_592 = vector.broadcast %scan3A_528 : i32 to vector<16xi32>
        %select_n3A_593 = arith.select %gt3A_590, %broadcast_in_dim3A_592, %scan3A_542 : vector<16xi1>, vector<16xi32>
        %add3A_594 = arith.constant 96 : i32
        %add3A_595 = arith.addi %mul3A_546, %add3A_594 : i32
        %get3A_596 = arith.index_cast %add3A_595 : i32 to index
        %get3A_597 = tpu.vector_load %arg5[%get3A_596] {strides = array<i32>} : memref<32768xf32, #tpu.memory_space<vmem>>, vector<16xf32>,
        %gt3A_598 = arith.cmpf ogt, %get3A_597, %scan3A_535 : vector<16xf32>
        %select_n3A_599 = arith.select %gt3A_598, %get3A_597, %scan3A_535 : vector<16xi1>, vector<16xf32>
        %broadcast_in_dim3A_600 = vector.broadcast %scan3A_528 : i32 to vector<16xi32>
        %select_n3A_601 = arith.select %gt3A_598, %broadcast_in_dim3A_600, %scan3A_543 : vector<16xi1>, vector<16xi32>
        %add3A_602 = arith.constant 112 : i32
        %add3A_603 = arith.addi %mul3A_546, %add3A_602 : i32
        %get3A_604 = arith.index_cast %add3A_603 : i32 to index
        %get3A_605 = tpu.vector_load %arg5[%get3A_604] {strides = array<i32>} : memref<32768xf32, #tpu.memory_space<vmem>>, vector<16xf32>,
        %gt3A_606 = arith.cmpf ogt, %get3A_605, %scan3A_536 : vector<16xf32>
        %select_n3A_607 = arith.select %gt3A_606, %get3A_605, %scan3A_536 : vector<16xi1>, vector<16xf32>
        %broadcast_in_dim3A_608 = vector.broadcast %scan3A_528 : i32 to vector<16xi32>
        %select_n3A_609 = arith.select %gt3A_606, %broadcast_in_dim3A_608, %scan3A_544 : vector<16xi1>, vector<16xi32>
        scf.yield %select_n3A_551, %select_n3A_559, %select_n3A_567, %select_n3A_575, %select_n3A_583, %select_n3A_591, %select_n3A_599, %select_n3A_607, %select_n3A_553, %select_n3A_561, %select_n3A_569, %select_n3A_577, %select_n3A_585, %select_n3A_593, %select_n3A_601, %select_n3A_609 : vector<16xf32>, vector<16xf32>, vector<16xf32>, vector<16xf32>, vector<16xf32>, vector<16xf32>, vector<16xf32>, vector<16xf32>, vector<16xi32>, vector<16xi32>, vector<16xi32>, vector<16xi32>, vector<16xi32>, vector<16xi32>, vector<16xi32>, vector<16xi32>
      }
      %scan3A_370 = arith.constant 64 : i32
      %dma_wait3A_371 = arith.constant 16384 : i32
      %dma_wait3A_372 = tpu.memref_slice %arg5[%dma_wait3A_371] : memref<32768xf32, #tpu.memory_space<vmem>> -> memref<8192xf32, #tpu.memory_space<vmem>>
      %dma_wait3A_373 = arith.constant 16384 : i32
      %dma_wait3A_374 = tpu.memref_slice %arg2[%add3A_305, %dma_wait3A_373] : memref<128x32768xf32, #tpu.memory_space<hbm>> -> memref<1x8192xf32, #tpu.memory_space<hbm>>
      %dma_wait3A_375 = tpu.memref_squeeze %dma_wait3A_374 : memref<1x8192xf32, #tpu.memory_space<hbm>> -> memref<8192xf32, #tpu.memory_space<hbm>>
      %dma_wait3A_376 = arith.constant 16384 : i32
      %dma_wait3A_377 = tpu.memref_slice %arg5[%dma_wait3A_376] : memref<32768xf32, #tpu.memory_space<vmem>> -> memref<8192xf32, #tpu.memory_space<vmem>>
      %dma_wait3A_378 = arith.constant 16384 : i32
      %dma_wait3A_379 = tpu.memref_slice %arg2[%add3A_305, %dma_wait3A_378] : memref<128x32768xf32, #tpu.memory_space<hbm>> -> memref<1x8192xf32, #tpu.memory_space<hbm>>
      %dma_wait3A_380 = tpu.memref_squeeze %dma_wait3A_379 : memref<1x8192xf32, #tpu.memory_space<hbm>> -> memref<8192xf32, #tpu.memory_space<hbm>>
      tpu.wait_dma2 semaphore(%arg13 : memref<!tpu.dma_semaphore, #tpu.memory_space<semaphore_mem>>) src(%dma_wait3A_380 : memref<8192xf32, #tpu.memory_space<hbm>>) dst(%dma_wait3A_377 : memref<8192xf32, #tpu.memory_space<vmem>>)
      %scan3A_381 = arith.constant 128 : i32
      %scan3A_382 = arith.constant 64 : i32
      %scan3A_383 = arith.addi %scan3A_381, %scan3A_382 : i32
      %scan3A_384 = arith.constant 1 : i32
      %scan3A_385:16 = scf.for %scan3A_528 = %scan3A_381 to %scan3A_383 step %scan3A_384 iter_args(%scan3A_529 = %scan3A_369#0, %scan3A_530 = %scan3A_369#1, %scan3A_531 = %scan3A_369#2, %scan3A_532 = %scan3A_369#3, %scan3A_533 = %scan3A_369#4, %scan3A_534 = %scan3A_369#5, %scan3A_535 = %scan3A_369#6, %scan3A_536 = %scan3A_369#7, %scan3A_537 = %scan3A_369#8, %scan3A_538 = %scan3A_369#9, %scan3A_539 = %scan3A_369#10, %scan3A_540 = %scan3A_369#11, %scan3A_541 = %scan3A_369#12, %scan3A_542 = %scan3A_369#13, %scan3A_543 = %scan3A_369#14, %scan3A_544 = %scan3A_369#15) -> (vector<16xf32>, vector<16xf32>, vector<16xf32>, vector<16xf32>, vector<16xf32>, vector<16xf32>, vector<16xf32>, vector<16xf32>, vector<16xi32>, vector<16xi32>, vector<16xi32>, vector<16xi32>, vector<16xi32>, vector<16xi32>, vector<16xi32>, vector<16xi32>)  : i32 {
        %mul3A_545 = arith.constant 128 : i32
        %mul3A_546 = arith.muli %scan3A_528, %mul3A_545 : i32
        %add3A_547 = arith.constant 0 : i32
        %add3A_548 = arith.addi %mul3A_546, %add3A_547 : i32
        %get3A = arith.index_cast %add3A_548 : i32 to index
        %get3A_549 = tpu.vector_load %arg5[%get3A] {strides = array<i32>} : memref<32768xf32, #tpu.memory_space<vmem>>, vector<16xf32>,
        %gt3A_550 = arith.cmpf ogt, %get3A_549, %scan3A_529 : vector<16xf32>
        %select_n3A_551 = arith.select %gt3A_550, %get3A_549, %scan3A_529 : vector<16xi1>, vector<16xf32>
        %broadcast_in_dim3A_552 = vector.broadcast %scan3A_528 : i32 to vector<16xi32>
        %select_n3A_553 = arith.select %gt3A_550, %broadcast_in_dim3A_552, %scan3A_537 : vector<16xi1>, vector<16xi32>
        %add3A_554 = arith.constant 16 : i32
        %add3A_555 = arith.addi %mul3A_546, %add3A_554 : i32
        %get3A_556 = arith.index_cast %add3A_555 : i32 to index
        %get3A_557 = tpu.vector_load %arg5[%get3A_556] {strides = array<i32>} : memref<32768xf32, #tpu.memory_space<vmem>>, vector<16xf32>,
        %gt3A_558 = arith.cmpf ogt, %get3A_557, %scan3A_530 : vector<16xf32>
        %select_n3A_559 = arith.select %gt3A_558, %get3A_557, %scan3A_530 : vector<16xi1>, vector<16xf32>
        %broadcast_in_dim3A_560 = vector.broadcast %scan3A_528 : i32 to vector<16xi32>
        %select_n3A_561 = arith.select %gt3A_558, %broadcast_in_dim3A_560, %scan3A_538 : vector<16xi1>, vector<16xi32>
        %add3A_562 = arith.constant 32 : i32
        %add3A_563 = arith.addi %mul3A_546, %add3A_562 : i32
        %get3A_564 = arith.index_cast %add3A_563 : i32 to index
        %get3A_565 = tpu.vector_load %arg5[%get3A_564] {strides = array<i32>} : memref<32768xf32, #tpu.memory_space<vmem>>, vector<16xf32>,
        %gt3A_566 = arith.cmpf ogt, %get3A_565, %scan3A_531 : vector<16xf32>
        %select_n3A_567 = arith.select %gt3A_566, %get3A_565, %scan3A_531 : vector<16xi1>, vector<16xf32>
        %broadcast_in_dim3A_568 = vector.broadcast %scan3A_528 : i32 to vector<16xi32>
        %select_n3A_569 = arith.select %gt3A_566, %broadcast_in_dim3A_568, %scan3A_539 : vector<16xi1>, vector<16xi32>
        %add3A_570 = arith.constant 48 : i32
        %add3A_571 = arith.addi %mul3A_546, %add3A_570 : i32
        %get3A_572 = arith.index_cast %add3A_571 : i32 to index
        %get3A_573 = tpu.vector_load %arg5[%get3A_572] {strides = array<i32>} : memref<32768xf32, #tpu.memory_space<vmem>>, vector<16xf32>,
        %gt3A_574 = arith.cmpf ogt, %get3A_573, %scan3A_532 : vector<16xf32>
        %select_n3A_575 = arith.select %gt3A_574, %get3A_573, %scan3A_532 : vector<16xi1>, vector<16xf32>
        %broadcast_in_dim3A_576 = vector.broadcast %scan3A_528 : i32 to vector<16xi32>
        %select_n3A_577 = arith.select %gt3A_574, %broadcast_in_dim3A_576, %scan3A_540 : vector<16xi1>, vector<16xi32>
        %add3A_578 = arith.constant 64 : i32
        %add3A_579 = arith.addi %mul3A_546, %add3A_578 : i32
        %get3A_580 = arith.index_cast %add3A_579 : i32 to index
        %get3A_581 = tpu.vector_load %arg5[%get3A_580] {strides = array<i32>} : memref<32768xf32, #tpu.memory_space<vmem>>, vector<16xf32>,
        %gt3A_582 = arith.cmpf ogt, %get3A_581, %scan3A_533 : vector<16xf32>
        %select_n3A_583 = arith.select %gt3A_582, %get3A_581, %scan3A_533 : vector<16xi1>, vector<16xf32>
        %broadcast_in_dim3A_584 = vector.broadcast %scan3A_528 : i32 to vector<16xi32>
        %select_n3A_585 = arith.select %gt3A_582, %broadcast_in_dim3A_584, %scan3A_541 : vector<16xi1>, vector<16xi32>
        %add3A_586 = arith.constant 80 : i32
        %add3A_587 = arith.addi %mul3A_546, %add3A_586 : i32
        %get3A_588 = arith.index_cast %add3A_587 : i32 to index
        %get3A_589 = tpu.vector_load %arg5[%get3A_588] {strides = array<i32>} : memref<32768xf32, #tpu.memory_space<vmem>>, vector<16xf32>,
        %gt3A_590 = arith.cmpf ogt, %get3A_589, %scan3A_534 : vector<16xf32>
        %select_n3A_591 = arith.select %gt3A_590, %get3A_589, %scan3A_534 : vector<16xi1>, vector<16xf32>
        %broadcast_in_dim3A_592 = vector.broadcast %scan3A_528 : i32 to vector<16xi32>
        %select_n3A_593 = arith.select %gt3A_590, %broadcast_in_dim3A_592, %scan3A_542 : vector<16xi1>, vector<16xi32>
        %add3A_594 = arith.constant 96 : i32
        %add3A_595 = arith.addi %mul3A_546, %add3A_594 : i32
        %get3A_596 = arith.index_cast %add3A_595 : i32 to index
        %get3A_597 = tpu.vector_load %arg5[%get3A_596] {strides = array<i32>} : memref<32768xf32, #tpu.memory_space<vmem>>, vector<16xf32>,
        %gt3A_598 = arith.cmpf ogt, %get3A_597, %scan3A_535 : vector<16xf32>
        %select_n3A_599 = arith.select %gt3A_598, %get3A_597, %scan3A_535 : vector<16xi1>, vector<16xf32>
        %broadcast_in_dim3A_600 = vector.broadcast %scan3A_528 : i32 to vector<16xi32>
        %select_n3A_601 = arith.select %gt3A_598, %broadcast_in_dim3A_600, %scan3A_543 : vector<16xi1>, vector<16xi32>
        %add3A_602 = arith.constant 112 : i32
        %add3A_603 = arith.addi %mul3A_546, %add3A_602 : i32
        %get3A_604 = arith.index_cast %add3A_603 : i32 to index
        %get3A_605 = tpu.vector_load %arg5[%get3A_604] {strides = array<i32>} : memref<32768xf32, #tpu.memory_space<vmem>>, vector<16xf32>,
        %gt3A_606 = arith.cmpf ogt, %get3A_605, %scan3A_536 : vector<16xf32>
        %select_n3A_607 = arith.select %gt3A_606, %get3A_605, %scan3A_536 : vector<16xi1>, vector<16xf32>
        %broadcast_in_dim3A_608 = vector.broadcast %scan3A_528 : i32 to vector<16xi32>
        %select_n3A_609 = arith.select %gt3A_606, %broadcast_in_dim3A_608, %scan3A_544 : vector<16xi1>, vector<16xi32>
        scf.yield %select_n3A_551, %select_n3A_559, %select_n3A_567, %select_n3A_575, %select_n3A_583, %select_n3A_591, %select_n3A_599, %select_n3A_607, %select_n3A_553, %select_n3A_561, %select_n3A_569, %select_n3A_577, %select_n3A_585, %select_n3A_593, %select_n3A_601, %select_n3A_609 : vector<16xf32>, vector<16xf32>, vector<16xf32>, vector<16xf32>, vector<16xf32>, vector<16xf32>, vector<16xf32>, vector<16xf32>, vector<16xi32>, vector<16xi32>, vector<16xi32>, vector<16xi32>, vector<16xi32>, vector<16xi32>, vector<16xi32>, vector<16xi32>
      }
      %scan3A_386 = arith.constant 64 : i32
      %dma_wait3A_387 = arith.constant 24576 : i32
      %dma_wait3A_388 = tpu.memref_slice %arg5[%dma_wait3A_387] : memref<32768xf32, #tpu.memory_space<vmem>> -> memref<8192xf32, #tpu.memory_space<vmem>>
      %dma_wait3A_389 = arith.constant 24576 : i32
      %dma_wait3A_390 = tpu.memref_slice %arg2[%add3A_305, %dma_wait3A_389] : memref<128x32768xf32, #tpu.memory_space<hbm>> -> memref<1x8192xf32, #tpu.memory_space<hbm>>
      %dma_wait3A_391 = tpu.memref_squeeze %dma_wait3A_390 : memref<1x8192xf32, #tpu.memory_space<hbm>> -> memref<8192xf32, #tpu.memory_space<hbm>>
      %dma_wait3A_392 = arith.constant 24576 : i32
      %dma_wait3A_393 = tpu.memref_slice %arg5[%dma_wait3A_392] : memref<32768xf32, #tpu.memory_space<vmem>> -> memref<8192xf32, #tpu.memory_space<vmem>>
      %dma_wait3A_394 = arith.constant 24576 : i32
      %dma_wait3A_395 = tpu.memref_slice %arg2[%add3A_305, %dma_wait3A_394] : memref<128x32768xf32, #tpu.memory_space<hbm>> -> memref<1x8192xf32, #tpu.memory_space<hbm>>
      %dma_wait3A_396 = tpu.memref_squeeze %dma_wait3A_395 : memref<1x8192xf32, #tpu.memory_space<hbm>> -> memref<8192xf32, #tpu.memory_space<hbm>>
      tpu.wait_dma2 semaphore(%arg14 : memref<!tpu.dma_semaphore, #tpu.memory_space<semaphore_mem>>) src(%dma_wait3A_396 : memref<8192xf32, #tpu.memory_space<hbm>>) dst(%dma_wait3A_393 : memref<8192xf32, #tpu.memory_space<vmem>>)
      %scan3A_397 = arith.constant 192 : i32
      %scan3A_398 = arith.constant 64 : i32
      %scan3A_399 = arith.addi %scan3A_397, %scan3A_398 : i32
      %scan3A_400 = arith.constant 1 : i32
      %scan3A_401:16 = scf.for %scan3A_528 = %scan3A_397 to %scan3A_399 step %scan3A_400 iter_args(%scan3A_529 = %scan3A_385#0, %scan3A_530 = %scan3A_385#1, %scan3A_531 = %scan3A_385#2, %scan3A_532 = %scan3A_385#3, %scan3A_533 = %scan3A_385#4, %scan3A_534 = %scan3A_385#5, %scan3A_535 = %scan3A_385#6, %scan3A_536 = %scan3A_385#7, %scan3A_537 = %scan3A_385#8, %scan3A_538 = %scan3A_385#9, %scan3A_539 = %scan3A_385#10, %scan3A_540 = %scan3A_385#11, %scan3A_541 = %scan3A_385#12, %scan3A_542 = %scan3A_385#13, %scan3A_543 = %scan3A_385#14, %scan3A_544 = %scan3A_385#15) -> (vector<16xf32>, vector<16xf32>, vector<16xf32>, vector<16xf32>, vector<16xf32>, vector<16xf32>, vector<16xf32>, vector<16xf32>, vector<16xi32>, vector<16xi32>, vector<16xi32>, vector<16xi32>, vector<16xi32>, vector<16xi32>, vector<16xi32>, vector<16xi32>)  : i32 {
        %mul3A_545 = arith.constant 128 : i32
        %mul3A_546 = arith.muli %scan3A_528, %mul3A_545 : i32
        %add3A_547 = arith.constant 0 : i32
        %add3A_548 = arith.addi %mul3A_546, %add3A_547 : i32
        %get3A = arith.index_cast %add3A_548 : i32 to index
        %get3A_549 = tpu.vector_load %arg5[%get3A] {strides = array<i32>} : memref<32768xf32, #tpu.memory_space<vmem>>, vector<16xf32>,
        %gt3A_550 = arith.cmpf ogt, %get3A_549, %scan3A_529 : vector<16xf32>
        %select_n3A_551 = arith.select %gt3A_550, %get3A_549, %scan3A_529 : vector<16xi1>, vector<16xf32>
        %broadcast_in_dim3A_552 = vector.broadcast %scan3A_528 : i32 to vector<16xi32>
        %select_n3A_553 = arith.select %gt3A_550, %broadcast_in_dim3A_552, %scan3A_537 : vector<16xi1>, vector<16xi32>
        %add3A_554 = arith.constant 16 : i32
        %add3A_555 = arith.addi %mul3A_546, %add3A_554 : i32
        %get3A_556 = arith.index_cast %add3A_555 : i32 to index
        %get3A_557 = tpu.vector_load %arg5[%get3A_556] {strides = array<i32>} : memref<32768xf32, #tpu.memory_space<vmem>>, vector<16xf32>,
        %gt3A_558 = arith.cmpf ogt, %get3A_557, %scan3A_530 : vector<16xf32>
        %select_n3A_559 = arith.select %gt3A_558, %get3A_557, %scan3A_530 : vector<16xi1>, vector<16xf32>
        %broadcast_in_dim3A_560 = vector.broadcast %scan3A_528 : i32 to vector<16xi32>
        %select_n3A_561 = arith.select %gt3A_558, %broadcast_in_dim3A_560, %scan3A_538 : vector<16xi1>, vector<16xi32>
        %add3A_562 = arith.constant 32 : i32
        %add3A_563 = arith.addi %mul3A_546, %add3A_562 : i32
        %get3A_564 = arith.index_cast %add3A_563 : i32 to index
        %get3A_565 = tpu.vector_load %arg5[%get3A_564] {strides = array<i32>} : memref<32768xf32, #tpu.memory_space<vmem>>, vector<16xf32>,
        %gt3A_566 = arith.cmpf ogt, %get3A_565, %scan3A_531 : vector<16xf32>
        %select_n3A_567 = arith.select %gt3A_566, %get3A_565, %scan3A_531 : vector<16xi1>, vector<16xf32>
        %broadcast_in_dim3A_568 = vector.broadcast %scan3A_528 : i32 to vector<16xi32>
        %select_n3A_569 = arith.select %gt3A_566, %broadcast_in_dim3A_568, %scan3A_539 : vector<16xi1>, vector<16xi32>
        %add3A_570 = arith.constant 48 : i32
        %add3A_571 = arith.addi %mul3A_546, %add3A_570 : i32
        %get3A_572 = arith.index_cast %add3A_571 : i32 to index
        %get3A_573 = tpu.vector_load %arg5[%get3A_572] {strides = array<i32>} : memref<32768xf32, #tpu.memory_space<vmem>>, vector<16xf32>,
        %gt3A_574 = arith.cmpf ogt, %get3A_573, %scan3A_532 : vector<16xf32>
        %select_n3A_575 = arith.select %gt3A_574, %get3A_573, %scan3A_532 : vector<16xi1>, vector<16xf32>
        %broadcast_in_dim3A_576 = vector.broadcast %scan3A_528 : i32 to vector<16xi32>
        %select_n3A_577 = arith.select %gt3A_574, %broadcast_in_dim3A_576, %scan3A_540 : vector<16xi1>, vector<16xi32>
        %add3A_578 = arith.constant 64 : i32
        %add3A_579 = arith.addi %mul3A_546, %add3A_578 : i32
        %get3A_580 = arith.index_cast %add3A_579 : i32 to index
        %get3A_581 = tpu.vector_load %arg5[%get3A_580] {strides = array<i32>} : memref<32768xf32, #tpu.memory_space<vmem>>, vector<16xf32>,
        %gt3A_582 = arith.cmpf ogt, %get3A_581, %scan3A_533 : vector<16xf32>
        %select_n3A_583 = arith.select %gt3A_582, %get3A_581, %scan3A_533 : vector<16xi1>, vector<16xf32>
        %broadcast_in_dim3A_584 = vector.broadcast %scan3A_528 : i32 to vector<16xi32>
        %select_n3A_585 = arith.select %gt3A_582, %broadcast_in_dim3A_584, %scan3A_541 : vector<16xi1>, vector<16xi32>
        %add3A_586 = arith.constant 80 : i32
        %add3A_587 = arith.addi %mul3A_546, %add3A_586 : i32
        %get3A_588 = arith.index_cast %add3A_587 : i32 to index
        %get3A_589 = tpu.vector_load %arg5[%get3A_588] {strides = array<i32>} : memref<32768xf32, #tpu.memory_space<vmem>>, vector<16xf32>,
        %gt3A_590 = arith.cmpf ogt, %get3A_589, %scan3A_534 : vector<16xf32>
        %select_n3A_591 = arith.select %gt3A_590, %get3A_589, %scan3A_534 : vector<16xi1>, vector<16xf32>
        %broadcast_in_dim3A_592 = vector.broadcast %scan3A_528 : i32 to vector<16xi32>
        %select_n3A_593 = arith.select %gt3A_590, %broadcast_in_dim3A_592, %scan3A_542 : vector<16xi1>, vector<16xi32>
        %add3A_594 = arith.constant 96 : i32
        %add3A_595 = arith.addi %mul3A_546, %add3A_594 : i32
        %get3A_596 = arith.index_cast %add3A_595 : i32 to index
        %get3A_597 = tpu.vector_load %arg5[%get3A_596] {strides = array<i32>} : memref<32768xf32, #tpu.memory_space<vmem>>, vector<16xf32>,
        %gt3A_598 = arith.cmpf ogt, %get3A_597, %scan3A_535 : vector<16xf32>
        %select_n3A_599 = arith.select %gt3A_598, %get3A_597, %scan3A_535 : vector<16xi1>, vector<16xf32>
        %broadcast_in_dim3A_600 = vector.broadcast %scan3A_528 : i32 to vector<16xi32>
        %select_n3A_601 = arith.select %gt3A_598, %broadcast_in_dim3A_600, %scan3A_543 : vector<16xi1>, vector<16xi32>
        %add3A_602 = arith.constant 112 : i32
        %add3A_603 = arith.addi %mul3A_546, %add3A_602 : i32
        %get3A_604 = arith.index_cast %add3A_603 : i32 to index
        %get3A_605 = tpu.vector_load %arg5[%get3A_604] {strides = array<i32>} : memref<32768xf32, #tpu.memory_space<vmem>>, vector<16xf32>,
        %gt3A_606 = arith.cmpf ogt, %get3A_605, %scan3A_536 : vector<16xf32>
        %select_n3A_607 = arith.select %gt3A_606, %get3A_605, %scan3A_536 : vector<16xi1>, vector<16xf32>
        %broadcast_in_dim3A_608 = vector.broadcast %scan3A_528 : i32 to vector<16xi32>
        %select_n3A_609 = arith.select %gt3A_606, %broadcast_in_dim3A_608, %scan3A_544 : vector<16xi1>, vector<16xi32>
        scf.yield %select_n3A_551, %select_n3A_559, %select_n3A_567, %select_n3A_575, %select_n3A_583, %select_n3A_591, %select_n3A_599, %select_n3A_607, %select_n3A_553, %select_n3A_561, %select_n3A_569, %select_n3A_577, %select_n3A_585, %select_n3A_593, %select_n3A_601, %select_n3A_609 : vector<16xf32>, vector<16xf32>, vector<16xf32>, vector<16xf32>, vector<16xf32>, vector<16xf32>, vector<16xf32>, vector<16xf32>, vector<16xi32>, vector<16xi32>, vector<16xi32>, vector<16xi32>, vector<16xi32>, vector<16xi32>, vector<16xi32>, vector<16xi32>
      }
      %scan3A_402 = arith.constant 64 : i32
      %mul3A_403 = arith.constant 128 : i32
      %mul3A_404 = vector.broadcast %mul3A_403 : i32 to vector<16xi32>
      %mul3A_405 = arith.muli %scan3A_401#8, %mul3A_404 : vector<16xi32>
      %add3A_406 = arith.addi %mul3A_405, %iota3A_306 : vector<16xi32>
      %mul3A_407 = arith.constant 128 : i32
      %mul3A_408 = vector.broadcast %mul3A_407 : i32 to vector<16xi32>
      %mul3A_409 = arith.muli %scan3A_401#9, %mul3A_408 : vector<16xi32>
      %add3A_410 = arith.constant 16 : i32
      %add3A_411 = vector.broadcast %add3A_410 : i32 to vector<16xi32>
      %add3A_412 = arith.addi %mul3A_409, %add3A_411 : vector<16xi32>
      %add3A_413 = arith.addi %add3A_412, %iota3A_306 : vector<16xi32>
      %gt3A_414 = arith.cmpf ogt, %scan3A_401#1, %scan3A_401#0 : vector<16xf32>
      %eq3A_415 = arith.cmpf oeq, %scan3A_401#1, %scan3A_401#0 : vector<16xf32>
      %lt3A_416 = arith.cmpi slt, %add3A_413, %add3A_406 : vector<16xi32>
      %and3A_417 = arith.andi %eq3A_415, %lt3A_416 : vector<16xi1>
      %or3A_418 = arith.ori %gt3A_414, %and3A_417 : vector<16xi1>
      %select_n3A_419 = arith.select %or3A_418, %scan3A_401#1, %scan3A_401#0 : vector<16xi1>, vector<16xf32>
      %select_n3A_420 = arith.select %or3A_418, %add3A_413, %add3A_406 : vector<16xi1>, vector<16xi32>
      %mul3A_421 = arith.constant 128 : i32
      %mul3A_422 = vector.broadcast %mul3A_421 : i32 to vector<16xi32>
      %mul3A_423 = arith.muli %scan3A_401#10, %mul3A_422 : vector<16xi32>
      %add3A_424 = arith.constant 32 : i32
      %add3A_425 = vector.broadcast %add3A_424 : i32 to vector<16xi32>
      %add3A_426 = arith.addi %mul3A_423, %add3A_425 : vector<16xi32>
      %add3A_427 = arith.addi %add3A_426, %iota3A_306 : vector<16xi32>
      %gt3A_428 = arith.cmpf ogt, %scan3A_401#2, %select_n3A_419 : vector<16xf32>
      %eq3A_429 = arith.cmpf oeq, %scan3A_401#2, %select_n3A_419 : vector<16xf32>
      %lt3A_430 = arith.cmpi slt, %add3A_427, %select_n3A_420 : vector<16xi32>
      %and3A_431 = arith.andi %eq3A_429, %lt3A_430 : vector<16xi1>
      %or3A_432 = arith.ori %gt3A_428, %and3A_431 : vector<16xi1>
      %select_n3A_433 = arith.select %or3A_432, %scan3A_401#2, %select_n3A_419 : vector<16xi1>, vector<16xf32>
      %select_n3A_434 = arith.select %or3A_432, %add3A_427, %select_n3A_420 : vector<16xi1>, vector<16xi32>
      %mul3A_435 = arith.constant 128 : i32
      %mul3A_436 = vector.broadcast %mul3A_435 : i32 to vector<16xi32>
      %mul3A_437 = arith.muli %scan3A_401#11, %mul3A_436 : vector<16xi32>
      %add3A_438 = arith.constant 48 : i32
      %add3A_439 = vector.broadcast %add3A_438 : i32 to vector<16xi32>
      %add3A_440 = arith.addi %mul3A_437, %add3A_439 : vector<16xi32>
      %add3A_441 = arith.addi %add3A_440, %iota3A_306 : vector<16xi32>
      %gt3A_442 = arith.cmpf ogt, %scan3A_401#3, %select_n3A_433 : vector<16xf32>
      %eq3A_443 = arith.cmpf oeq, %scan3A_401#3, %select_n3A_433 : vector<16xf32>
      %lt3A_444 = arith.cmpi slt, %add3A_441, %select_n3A_434 : vector<16xi32>
      %and3A_445 = arith.andi %eq3A_443, %lt3A_444 : vector<16xi1>
      %or3A_446 = arith.ori %gt3A_442, %and3A_445 : vector<16xi1>
      %select_n3A_447 = arith.select %or3A_446, %scan3A_401#3, %select_n3A_433 : vector<16xi1>, vector<16xf32>
      %select_n3A_448 = arith.select %or3A_446, %add3A_441, %select_n3A_434 : vector<16xi1>, vector<16xi32>
      %mul3A_449 = arith.constant 128 : i32
      %mul3A_450 = vector.broadcast %mul3A_449 : i32 to vector<16xi32>
      %mul3A_451 = arith.muli %scan3A_401#12, %mul3A_450 : vector<16xi32>
      %add3A_452 = arith.constant 64 : i32
      %add3A_453 = vector.broadcast %add3A_452 : i32 to vector<16xi32>
      %add3A_454 = arith.addi %mul3A_451, %add3A_453 : vector<16xi32>
      %add3A_455 = arith.addi %add3A_454, %iota3A_306 : vector<16xi32>
      %gt3A_456 = arith.cmpf ogt, %scan3A_401#4, %select_n3A_447 : vector<16xf32>
      %eq3A_457 = arith.cmpf oeq, %scan3A_401#4, %select_n3A_447 : vector<16xf32>
      %lt3A_458 = arith.cmpi slt, %add3A_455, %select_n3A_448 : vector<16xi32>
      %and3A_459 = arith.andi %eq3A_457, %lt3A_458 : vector<16xi1>
      %or3A_460 = arith.ori %gt3A_456, %and3A_459 : vector<16xi1>
      %select_n3A_461 = arith.select %or3A_460, %scan3A_401#4, %select_n3A_447 : vector<16xi1>, vector<16xf32>
      %select_n3A_462 = arith.select %or3A_460, %add3A_455, %select_n3A_448 : vector<16xi1>, vector<16xi32>
      %mul3A_463 = arith.constant 128 : i32
      %mul3A_464 = vector.broadcast %mul3A_463 : i32 to vector<16xi32>
      %mul3A_465 = arith.muli %scan3A_401#13, %mul3A_464 : vector<16xi32>
      %add3A_466 = arith.constant 80 : i32
      %add3A_467 = vector.broadcast %add3A_466 : i32 to vector<16xi32>
      %add3A_468 = arith.addi %mul3A_465, %add3A_467 : vector<16xi32>
      %add3A_469 = arith.addi %add3A_468, %iota3A_306 : vector<16xi32>
      %gt3A_470 = arith.cmpf ogt, %scan3A_401#5, %select_n3A_461 : vector<16xf32>
      %eq3A_471 = arith.cmpf oeq, %scan3A_401#5, %select_n3A_461 : vector<16xf32>
      %lt3A_472 = arith.cmpi slt, %add3A_469, %select_n3A_462 : vector<16xi32>
      %and3A_473 = arith.andi %eq3A_471, %lt3A_472 : vector<16xi1>
      %or3A_474 = arith.ori %gt3A_470, %and3A_473 : vector<16xi1>
      %select_n3A_475 = arith.select %or3A_474, %scan3A_401#5, %select_n3A_461 : vector<16xi1>, vector<16xf32>
      %select_n3A_476 = arith.select %or3A_474, %add3A_469, %select_n3A_462 : vector<16xi1>, vector<16xi32>
      %mul3A_477 = arith.constant 128 : i32
      %mul3A_478 = vector.broadcast %mul3A_477 : i32 to vector<16xi32>
      %mul3A_479 = arith.muli %scan3A_401#14, %mul3A_478 : vector<16xi32>
      %add3A_480 = arith.constant 96 : i32
      %add3A_481 = vector.broadcast %add3A_480 : i32 to vector<16xi32>
      %add3A_482 = arith.addi %mul3A_479, %add3A_481 : vector<16xi32>
      %add3A_483 = arith.addi %add3A_482, %iota3A_306 : vector<16xi32>
      %gt3A_484 = arith.cmpf ogt, %scan3A_401#6, %select_n3A_475 : vector<16xf32>
      %eq3A_485 = arith.cmpf oeq, %scan3A_401#6, %select_n3A_475 : vector<16xf32>
      %lt3A_486 = arith.cmpi slt, %add3A_483, %select_n3A_476 : vector<16xi32>
      %and3A_487 = arith.andi %eq3A_485, %lt3A_486 : vector<16xi1>
      %or3A_488 = arith.ori %gt3A_484, %and3A_487 : vector<16xi1>
      %select_n3A_489 = arith.select %or3A_488, %scan3A_401#6, %select_n3A_475 : vector<16xi1>, vector<16xf32>
      %select_n3A_490 = arith.select %or3A_488, %add3A_483, %select_n3A_476 : vector<16xi1>, vector<16xi32>
      %mul3A_491 = arith.constant 128 : i32
      %mul3A_492 = vector.broadcast %mul3A_491 : i32 to vector<16xi32>
      %mul3A_493 = arith.muli %scan3A_401#15, %mul3A_492 : vector<16xi32>
      %add3A_494 = arith.constant 112 : i32
      %add3A_495 = vector.broadcast %add3A_494 : i32 to vector<16xi32>
      %add3A_496 = arith.addi %mul3A_493, %add3A_495 : vector<16xi32>
      %add3A_497 = arith.addi %add3A_496, %iota3A_306 : vector<16xi32>
      %gt3A_498 = arith.cmpf ogt, %scan3A_401#7, %select_n3A_489 : vector<16xf32>
      %eq3A_499 = arith.cmpf oeq, %scan3A_401#7, %select_n3A_489 : vector<16xf32>
      %lt3A_500 = arith.cmpi slt, %add3A_497, %select_n3A_490 : vector<16xi32>
      %and3A_501 = arith.andi %eq3A_499, %lt3A_500 : vector<16xi1>
      %or3A_502 = arith.ori %gt3A_498, %and3A_501 : vector<16xi1>
      %select_n3A_503 = arith.select %or3A_502, %scan3A_401#7, %select_n3A_489 : vector<16xi1>, vector<16xf32>
      %select_n3A_504 = arith.select %or3A_502, %add3A_497, %select_n3A_490 : vector<16xi1>, vector<16xi32>
      %reduce_max3A_505 = arith.constant true
      %reduce_max3A_506 = vector.broadcast %reduce_max3A_505 : i1 to vector<16xi1>
      %reduce_max3A_507 = tpu.scan <max>, %select_n3A_503 masked %reduce_max3A_506 : vector<16xf32>, vector<16xi1> -> vector<16xf32>
      %reduce_max3A_508 = vector.extract %reduce_max3A_507[15] : f32 from vector<16xf32>
      %eq3A_509 = vector.broadcast %reduce_max3A_508 : f32 to vector<16xf32>
      %eq3A_510 = arith.cmpf oeq, %select_n3A_503, %eq3A_509 : vector<16xf32>
      %jit3A_511 = arith.constant 2147483647 : i32
      %broadcast_in_dim3A_512 = vector.broadcast %jit3A_511 : i32 to vector<16xi32>
      %select_n3A_513 = arith.select %eq3A_510, %select_n3A_504, %broadcast_in_dim3A_512 : vector<16xi1>, vector<16xi32>
      %reduce_min3A_514 = arith.constant true
      %reduce_min3A_515 = vector.broadcast %reduce_min3A_514 : i1 to vector<16xi1>
      %reduce_min3A_516 = arith.constant -2147483648 : i32
      %reduce_min3A_517 = vector.broadcast %reduce_min3A_516 : i32 to vector<16xi32>
      %reduce_min3A_518 = arith.xori %select_n3A_513, %reduce_min3A_517 : vector<16xi32>
      %reduce_min3A_519 = tpu.scan <min>, %reduce_min3A_518 masked %reduce_min3A_515 : vector<16xi32>, vector<16xi1> -> vector<16xi32>
      %reduce_min3A_520 = arith.xori %reduce_min3A_519, %reduce_min3A_517 : vector<16xi32>
      %reduce_min3A_521 = vector.extract %reduce_min3A_520[15] : i32 from vector<16xi32>
      %eq3A_522 = arith.constant 1 : i32
      %eq3A_523 = vector.broadcast %eq3A_522 : i32 to vector<16xi32>
      %eq3A_524 = arith.cmpi eq, %iota3A, %eq3A_523 : vector<16xi32>
      %broadcast_in_dim3A_525 = vector.broadcast %reduce_min3A_521 : i32 to vector<16xi32>
      %select_n3A_526 = arith.select %eq3A_524, %broadcast_in_dim3A_525, %select_n3A_303 : vector<16xi1>, vector<16xi32>
      %swap3A = arith.constant 0 : index
      %swap3A_527 = tpu.vector_load %arg6[%swap3A] {strides = array<i32>} : memref<16xi32, #tpu.memory_space<vmem>>, vector<16xi32>,
      tpu.vector_store %arg6[%swap3A], %select_n3A_526 {strides = array<i32>} : memref<16xi32, #tpu.memory_space<vmem>>, vector<16xi32>,
      "tpu.region"() ({
        %run_scoped3A = tpu.sem_alloc : memref<!tpu.dma_semaphore, #tpu.memory_space<semaphore_mem>>
        %dma_start3A_528 = arith.constant 0 : i32
        %dma_start3A_529 = tpu.memref_slice %arg3[%add3A, %dma_start3A_528] : memref<24x16xi32, #tpu.memory_space<hbm>> -> memref<1x16xi32, #tpu.memory_space<hbm>>
        %dma_start3A_530 = tpu.memref_squeeze %dma_start3A_529 : memref<1x16xi32, #tpu.memory_space<hbm>> -> memref<16xi32, #tpu.memory_space<hbm>>
        %dma_start3A_531 = arith.constant 0 : i32
        %dma_start3A_532 = tpu.memref_slice %arg3[%add3A, %dma_start3A_531] : memref<24x16xi32, #tpu.memory_space<hbm>> -> memref<1x16xi32, #tpu.memory_space<hbm>>
        %dma_start3A_533 = tpu.memref_squeeze %dma_start3A_532 : memref<1x16xi32, #tpu.memory_space<hbm>> -> memref<16xi32, #tpu.memory_space<hbm>>
        tpu.enqueue_dma source(%arg6 : memref<16xi32, #tpu.memory_space<vmem>>) target(%dma_start3A_533 : memref<16xi32, #tpu.memory_space<hbm>>) target_semaphore(%run_scoped3A : memref<!tpu.dma_semaphore, #tpu.memory_space<semaphore_mem>>)
        %dma_wait3A_534 = arith.constant 0 : i32
        %dma_wait3A_535 = tpu.memref_slice %arg3[%add3A, %dma_wait3A_534] : memref<24x16xi32, #tpu.memory_space<hbm>> -> memref<1x16xi32, #tpu.memory_space<hbm>>
        %dma_wait3A_536 = tpu.memref_squeeze %dma_wait3A_535 : memref<1x16xi32, #tpu.memory_space<hbm>> -> memref<16xi32, #tpu.memory_space<hbm>>
        %dma_wait3A_537 = arith.constant 0 : i32
        %dma_wait3A_538 = tpu.memref_slice %arg3[%add3A, %dma_wait3A_537] : memref<24x16xi32, #tpu.memory_space<hbm>> -> memref<1x16xi32, #tpu.memory_space<hbm>>
        %dma_wait3A_539 = tpu.memref_squeeze %dma_wait3A_538 : memref<1x16xi32, #tpu.memory_space<hbm>> -> memref<16xi32, #tpu.memory_space<hbm>>
        tpu.wait_dma2 semaphore(%run_scoped3A : memref<!tpu.dma_semaphore, #tpu.memory_space<semaphore_mem>>) src(%arg6 : memref<16xi32, #tpu.memory_space<vmem>>) dst(%dma_wait3A_539 : memref<16xi32, #tpu.memory_space<hbm>>)
        tpu.yield
      }) : () -> ()
    } else {
    }
    return
  }
}

module attributes {stable_mosaic.version = 14 : i64} {
  func.func @_tc_body(%arg0: i32, %arg1: memref<16x32768xf32, #tpu.memory_space<vmem>>, %arg2: memref<16x128xi32, #tpu.memory_space<vmem>>) attributes {dimension_semantics = [#tpu.dimension_semantics<arbitrary>], iteration_bounds = array<i64: 5>, scalar_prefetch = 0 : i64, scratch_operands = 0 : i64, tpu.core_type = #tpu.core_type<tc>, window_params = [{transform_indices = @transform_0, window_bounds = array<i64: 16, 32768>}, {transform_indices = @transform_1, window_bounds = array<i64: 16, 128>}]} {
    %broadcast_in_dim3A = arith.constant 0xFF800000 : f32
    %broadcast_in_dim3A_0 = vector.broadcast %broadcast_in_dim3A : f32 to vector<16x128xf32>
    %broadcast_in_dim3A_1 = arith.constant 0xFF800000 : f32
    %broadcast_in_dim3A_2 = vector.broadcast %broadcast_in_dim3A_1 : f32 to vector<16x128xf32>
    %broadcast_in_dim3A_3 = arith.constant 0xFF800000 : f32
    %broadcast_in_dim3A_4 = vector.broadcast %broadcast_in_dim3A_3 : f32 to vector<16x128xf32>
    %broadcast_in_dim3A_5 = arith.constant 0xFF800000 : f32
    %broadcast_in_dim3A_6 = vector.broadcast %broadcast_in_dim3A_5 : f32 to vector<16x128xf32>
    %broadcast_in_dim3A_7 = arith.constant 0 : i32
    %broadcast_in_dim3A_8 = vector.broadcast %broadcast_in_dim3A_7 : i32 to vector<16x128xi32>
    %broadcast_in_dim3A_9 = arith.constant 0 : i32
    %broadcast_in_dim3A_10 = vector.broadcast %broadcast_in_dim3A_9 : i32 to vector<16x128xi32>
    %broadcast_in_dim3A_11 = arith.constant 0 : i32
    %broadcast_in_dim3A_12 = vector.broadcast %broadcast_in_dim3A_11 : i32 to vector<16x128xi32>
    %broadcast_in_dim3A_13 = arith.constant 0 : i32
    %broadcast_in_dim3A_14 = vector.broadcast %broadcast_in_dim3A_13 : i32 to vector<16x128xi32>
    %scan3A = arith.constant 0 : i32
    %scan3A_15 = arith.constant 64 : i32
    %scan3A_16 = arith.addi %scan3A, %scan3A_15 : i32
    %scan3A_17 = arith.constant 1 : i32
    %scan3A_18:8 = scf.for %scan3A_70 = %scan3A to %scan3A_16 step %scan3A_17 iter_args(%scan3A_71 = %broadcast_in_dim3A_0, %scan3A_72 = %broadcast_in_dim3A_2, %scan3A_73 = %broadcast_in_dim3A_4, %scan3A_74 = %broadcast_in_dim3A_6, %scan3A_75 = %broadcast_in_dim3A_8, %scan3A_76 = %broadcast_in_dim3A_10, %scan3A_77 = %broadcast_in_dim3A_12, %scan3A_78 = %broadcast_in_dim3A_14) -> (vector<16x128xf32>, vector<16x128xf32>, vector<16x128xf32>, vector<16x128xf32>, vector<16x128xi32>, vector<16x128xi32>, vector<16x128xi32>, vector<16x128xi32>)  : i32 {
      %mul3A_79 = arith.constant 512 : i32
      %mul3A_80 = arith.muli %scan3A_70, %mul3A_79 : i32
      %add3A_81 = arith.constant 0 : i32
      %add3A_82 = arith.addi %mul3A_80, %add3A_81 : i32
      %get3A = arith.constant 0 : index
      %get3A_83 = arith.index_cast %add3A_82 : i32 to index
      %get3A_84 = vector.load %arg1[%get3A, %get3A_83] : memref<16x32768xf32, #tpu.memory_space<vmem>>, vector<16x128xf32>
      %gt3A_85 = arith.cmpf ogt, %get3A_84, %scan3A_71 : vector<16x128xf32>
      %select_n3A_86 = arith.select %gt3A_85, %get3A_84, %scan3A_71 : vector<16x128xi1>, vector<16x128xf32>
      %broadcast_in_dim3A_87 = vector.broadcast %scan3A_70 : i32 to vector<16x128xi32>
      %select_n3A_88 = arith.select %gt3A_85, %broadcast_in_dim3A_87, %scan3A_75 : vector<16x128xi1>, vector<16x128xi32>
      %add3A_89 = arith.constant 128 : i32
      %add3A_90 = arith.addi %mul3A_80, %add3A_89 : i32
      %get3A_91 = arith.constant 0 : index
      %get3A_92 = arith.index_cast %add3A_90 : i32 to index
      %get3A_93 = vector.load %arg1[%get3A_91, %get3A_92] : memref<16x32768xf32, #tpu.memory_space<vmem>>, vector<16x128xf32>
      %gt3A_94 = arith.cmpf ogt, %get3A_93, %scan3A_72 : vector<16x128xf32>
      %select_n3A_95 = arith.select %gt3A_94, %get3A_93, %scan3A_72 : vector<16x128xi1>, vector<16x128xf32>
      %broadcast_in_dim3A_96 = vector.broadcast %scan3A_70 : i32 to vector<16x128xi32>
      %select_n3A_97 = arith.select %gt3A_94, %broadcast_in_dim3A_96, %scan3A_76 : vector<16x128xi1>, vector<16x128xi32>
      %add3A_98 = arith.constant 256 : i32
      %add3A_99 = arith.addi %mul3A_80, %add3A_98 : i32
      %get3A_100 = arith.constant 0 : index
      %get3A_101 = arith.index_cast %add3A_99 : i32 to index
      %get3A_102 = vector.load %arg1[%get3A_100, %get3A_101] : memref<16x32768xf32, #tpu.memory_space<vmem>>, vector<16x128xf32>
      %gt3A_103 = arith.cmpf ogt, %get3A_102, %scan3A_73 : vector<16x128xf32>
      %select_n3A_104 = arith.select %gt3A_103, %get3A_102, %scan3A_73 : vector<16x128xi1>, vector<16x128xf32>
      %broadcast_in_dim3A_105 = vector.broadcast %scan3A_70 : i32 to vector<16x128xi32>
      %select_n3A_106 = arith.select %gt3A_103, %broadcast_in_dim3A_105, %scan3A_77 : vector<16x128xi1>, vector<16x128xi32>
      %add3A_107 = arith.constant 384 : i32
      %add3A_108 = arith.addi %mul3A_80, %add3A_107 : i32
      %get3A_109 = arith.constant 0 : index
      %get3A_110 = arith.index_cast %add3A_108 : i32 to index
      %get3A_111 = vector.load %arg1[%get3A_109, %get3A_110] : memref<16x32768xf32, #tpu.memory_space<vmem>>, vector<16x128xf32>
      %gt3A_112 = arith.cmpf ogt, %get3A_111, %scan3A_74 : vector<16x128xf32>
      %select_n3A_113 = arith.select %gt3A_112, %get3A_111, %scan3A_74 : vector<16x128xi1>, vector<16x128xf32>
      %broadcast_in_dim3A_114 = vector.broadcast %scan3A_70 : i32 to vector<16x128xi32>
      %select_n3A_115 = arith.select %gt3A_112, %broadcast_in_dim3A_114, %scan3A_78 : vector<16x128xi1>, vector<16x128xi32>
      scf.yield %select_n3A_86, %select_n3A_95, %select_n3A_104, %select_n3A_113, %select_n3A_88, %select_n3A_97, %select_n3A_106, %select_n3A_115 : vector<16x128xf32>, vector<16x128xf32>, vector<16x128xf32>, vector<16x128xf32>, vector<16x128xi32>, vector<16x128xi32>, vector<16x128xi32>, vector<16x128xi32>
    }
    %scan3A_19 = arith.constant 64 : i32
    %iota3A = tpu.iota {dimensions = array<i32: 1>} : vector<16x128xi32>
    %mul3A = arith.constant 512 : i32
    %mul3A_20 = vector.broadcast %mul3A : i32 to vector<16x128xi32>
    %mul3A_21 = arith.muli %scan3A_18#4, %mul3A_20 : vector<16x128xi32>
    %add3A = arith.addi %mul3A_21, %iota3A : vector<16x128xi32>
    %mul3A_22 = arith.constant 512 : i32
    %mul3A_23 = vector.broadcast %mul3A_22 : i32 to vector<16x128xi32>
    %mul3A_24 = arith.muli %scan3A_18#5, %mul3A_23 : vector<16x128xi32>
    %add3A_25 = arith.constant 128 : i32
    %add3A_26 = vector.broadcast %add3A_25 : i32 to vector<16x128xi32>
    %add3A_27 = arith.addi %mul3A_24, %add3A_26 : vector<16x128xi32>
    %add3A_28 = arith.addi %add3A_27, %iota3A : vector<16x128xi32>
    %gt3A = arith.cmpf ogt, %scan3A_18#1, %scan3A_18#0 : vector<16x128xf32>
    %eq3A = arith.cmpf oeq, %scan3A_18#1, %scan3A_18#0 : vector<16x128xf32>
    %lt3A = arith.cmpi slt, %add3A_28, %add3A : vector<16x128xi32>
    %and3A = arith.andi %eq3A, %lt3A : vector<16x128xi1>
    %or3A = arith.ori %gt3A, %and3A : vector<16x128xi1>
    %select_n3A = arith.select %or3A, %scan3A_18#1, %scan3A_18#0 : vector<16x128xi1>, vector<16x128xf32>
    %select_n3A_29 = arith.select %or3A, %add3A_28, %add3A : vector<16x128xi1>, vector<16x128xi32>
    %mul3A_30 = arith.constant 512 : i32
    %mul3A_31 = vector.broadcast %mul3A_30 : i32 to vector<16x128xi32>
    %mul3A_32 = arith.muli %scan3A_18#6, %mul3A_31 : vector<16x128xi32>
    %add3A_33 = arith.constant 256 : i32
    %add3A_34 = vector.broadcast %add3A_33 : i32 to vector<16x128xi32>
    %add3A_35 = arith.addi %mul3A_32, %add3A_34 : vector<16x128xi32>
    %add3A_36 = arith.addi %add3A_35, %iota3A : vector<16x128xi32>
    %gt3A_37 = arith.cmpf ogt, %scan3A_18#2, %select_n3A : vector<16x128xf32>
    %eq3A_38 = arith.cmpf oeq, %scan3A_18#2, %select_n3A : vector<16x128xf32>
    %lt3A_39 = arith.cmpi slt, %add3A_36, %select_n3A_29 : vector<16x128xi32>
    %and3A_40 = arith.andi %eq3A_38, %lt3A_39 : vector<16x128xi1>
    %or3A_41 = arith.ori %gt3A_37, %and3A_40 : vector<16x128xi1>
    %select_n3A_42 = arith.select %or3A_41, %scan3A_18#2, %select_n3A : vector<16x128xi1>, vector<16x128xf32>
    %select_n3A_43 = arith.select %or3A_41, %add3A_36, %select_n3A_29 : vector<16x128xi1>, vector<16x128xi32>
    %mul3A_44 = arith.constant 512 : i32
    %mul3A_45 = vector.broadcast %mul3A_44 : i32 to vector<16x128xi32>
    %mul3A_46 = arith.muli %scan3A_18#7, %mul3A_45 : vector<16x128xi32>
    %add3A_47 = arith.constant 384 : i32
    %add3A_48 = vector.broadcast %add3A_47 : i32 to vector<16x128xi32>
    %add3A_49 = arith.addi %mul3A_46, %add3A_48 : vector<16x128xi32>
    %add3A_50 = arith.addi %add3A_49, %iota3A : vector<16x128xi32>
    %gt3A_51 = arith.cmpf ogt, %scan3A_18#3, %select_n3A_42 : vector<16x128xf32>
    %eq3A_52 = arith.cmpf oeq, %scan3A_18#3, %select_n3A_42 : vector<16x128xf32>
    %lt3A_53 = arith.cmpi slt, %add3A_50, %select_n3A_43 : vector<16x128xi32>
    %and3A_54 = arith.andi %eq3A_52, %lt3A_53 : vector<16x128xi1>
    %or3A_55 = arith.ori %gt3A_51, %and3A_54 : vector<16x128xi1>
    %select_n3A_56 = arith.select %or3A_55, %scan3A_18#3, %select_n3A_42 : vector<16x128xi1>, vector<16x128xf32>
    %select_n3A_57 = arith.select %or3A_55, %add3A_50, %select_n3A_43 : vector<16x128xi1>, vector<16x128xi32>
    %reduce_max3A = arith.constant dense<0xFF800000> : vector<16xf32>
    %reduce_max3A_58 = vector.multi_reduction <maximumf>, %select_n3A_56, %reduce_max3A [1] : vector<16x128xf32> to vector<16xf32>
    %broadcast_in_dim3A_59 = vector.shape_cast %reduce_max3A_58 : vector<16xf32> to vector<16x1xf32>
    %eq3A_60 = vector.broadcast %broadcast_in_dim3A_59 : vector<16x1xf32> to vector<16x128xf32>
    %eq3A_61 = arith.cmpf oeq, %select_n3A_56, %eq3A_60 : vector<16x128xf32>
    %jit3A = arith.constant 2147483647 : i32
    %broadcast_in_dim3A_62 = vector.broadcast %jit3A : i32 to vector<16x128xi32>
    %select_n3A_63 = arith.select %eq3A_61, %select_n3A_57, %broadcast_in_dim3A_62 : vector<16x128xi1>, vector<16x128xi32>
    %reduce_min3A = arith.constant dense<2147483647> : vector<16xi32>
    %reduce_min3A_64 = vector.multi_reduction <minsi>, %select_n3A_63, %reduce_min3A [1] : vector<16x128xi32> to vector<16xi32>
    %broadcast_in_dim3A_65 = vector.shape_cast %reduce_min3A_64 : vector<16xi32> to vector<16x1xi32>
    %broadcast_in_dim3A_66 = vector.shape_cast %broadcast_in_dim3A_65 : vector<16x1xi32> to vector<16x1xi32>
    %broadcast_in_dim3A_67 = vector.broadcast %broadcast_in_dim3A_66 : vector<16x1xi32> to vector<16x128xi32>
    %swap3A = arith.constant 0 : index
    %swap3A_68 = arith.constant 0 : index
    %swap3A_69 = vector.load %arg2[%swap3A, %swap3A_68] : memref<16x128xi32, #tpu.memory_space<vmem>>, vector<16x128xi32>
    tpu.vector_store %arg2[%swap3A, %swap3A_68], %broadcast_in_dim3A_67 {strides = array<i32>} : memref<16x128xi32, #tpu.memory_space<vmem>>, vector<16x128xi32>,
    return
  }
  func.func @transform_0(%arg0: i32) -> (i32, i32) {
    %c0_i32 = arith.constant 0 : i32
    %c0_i32_0 = arith.constant 0 : i32
    return %arg0, %c0_i32 : i32, i32
  }
  func.func @transform_1(%arg0: i32) -> (i32, i32) {
    %c0_i32 = arith.constant 0 : i32
    %c0_i32_0 = arith.constant 0 : i32
    return %arg0, %c0_i32 : i32, i32
  }
}

</mosaic_0001>

<sc_bundles>
// kernel: kernel.4.cloned.1.call-start
scs
__scs_entry_jumppad:
0x0: {  	(pc) =	sbr.rel $0x88, $3  }
0x1: {  	(tag) =	ssettag $0x0;
	lr =	simm.s32 $0x1  }
0x2: {  	[smem:$0x3FA0] =	sst lr;
	_ =	strace $0xD0000000  }
0x3: {  	_ = 	snop  }
0x4: {  	_ = 	snop  }
0x5: {  	_ = 	snop  }
0x6: {  	_ = 	snop  }
0x7: {  	_ = 	snop  }
__scs_overlays_trampoline_lowered:
0x8: {  	[smem:$0x3FAF] =	sst s0  }
0x9: {  	[smem:$0x3FB0] =	sst s1  }
0xa: {  	[smem:$0x3FB1] =	sst s2  }
0xb: {  	[smem:$0x3FB2] =	sst s3  }
0xc: {  	[smem:$0x3FB3] =	sst s4  }
0xd: {  	[smem:$0x3FB4] =	sst s5  }
0xe: {  	[smem:$0x3FB5] =	sst s6  }
0xf: {  	[smem:$0x3FB6] =	sst s7  }
0x10: {  	[smem:$0x3FB7] =	sst s8  }
0x11: {  	[smem:$0x3FB8] =	sst s9;
	s0 =	simm.s32 @!p0 $0x0  }
0x12: {  	s1 =	sld [smem:$0x3F9E];
	s0 =	simm.s32 @p0 $0x1  }
0x13: {  	[smem:$0x3FB9] =	sst s0;
	s0 =	simm.s32 @!p1 $0x0  }
0x14: {  	s2 =	sld [smem:$0x3F9D];
	s0 =	simm.s32 @p1 $0x1  }
0x15: {  	[smem:$0x3FBA] =	sst s0;
	s0 =	simm.s32 @!p2 $0x0  }
0x16: {  	s3 =	sld [smem:$0x3FDB];
	s0 =	simm.s32 @p2 $0x1  }
0x17: {  	s4 =	simm.s32 $0x1BF5;
	[smem:$0x3FBC] =	sst s0  }
0x18: {  	s0 =	sld [smem:$0x3F9F];
	_ =	swait.ge [sflag:s4], $0x0  }
0x19: {  	s7 =	sld [smem:$0x3FA0]  }
0x1a: {  	s8 =	sadd.s32 $0xFFFFE003, lr  }
0x1b: {  	s9 =	sadd.s32 $0xFFFFFEF7, lr;
	s5 =	simm.s32 $0xFFFFFFFF;
	p2 =	slt.u32 s8, $0xFFFFF086  }
0x1c: {  	p1 =	slt.u32 s9, $0xF7A;
	s5 =	simm.s32 @!p2 $0x0  }
0x1d: {  	s5 =	simm.s32 @p1 $0x1;
	p0 =	seq.s32 s7, s2  }
0x1e: {  	s7 =	smul.u32 @!p0 $0xF7A, s2;
	p2 =	seq.s32 @!p0 s5, $0x0  }
0x1f: {  	s9 =	smul.u32 $0xF7A, s1;
	s8 =	simm.s32 @!p0 $0x1BF5;
	p2 =	por !p2, p0  }
0x20: {  	[sflag:s8] =	ssyncset.s32 @!p0 $0xFFFFF086;
	s6 =	sadd.s32 @!p0 s3, s7;
	s7 =	simm.s32 @!p0 $0x108  }
0x21: {  	s3 =	sadd.s32 s3, s9;
	s6 =	sadd.s32 @!p0 $0x88, s6;
	s7 =	simm.s32 @p2 $0x1082  }
0x22: {  	[simem:s7], [sflag:s8] =	dma.local @!p0 [hbm:s6], $0xF7A  }
0x23: {  	s9 =	sor.u32 $0xD0000000, s2;
	s6 =	simm.s32 $0x108;
	_ =	swait.ge @!p0 [sflag:s8], $0x0  }
0x24: {  	s3 =	sadd.s32 $0x88, s3;
	s6 =	simm.s32 @!p1 $0x1082;
	[sflag:s4] =	ssyncset.s32 $0xFFFFF086  }
0x25: {  	[simem:s6], [sflag:s4] =	dma.local [hbm:s3], $0xF7A  }
0x26: {  	[smem:$0x3FA0] =	sst s1;
	(tag) =	ssettag s2;
	_ =	strace s9  }
0x27: {  	s1 =	sld [smem:$0x3FB0]  }
0x28: {  	s2 =	sld [smem:$0x3FB1]  }
0x29: {  	s4 =	sld [smem:$0x3FB3]  }
0x2a: {  	p0 =	seq.s32 s5, $0x0;
	s5 =	sld [smem:$0x3FB4]  }
0x2b: {  	s6 =	sld [smem:$0x3FB5]  }
0x2c: {  	s7 =	sld [smem:$0x3FB6]  }
0x2d: {  	s3 =	simm.s32 $0x108;
	s8 =	sld [smem:$0x3FB7]  }
0x2e: {  	s3 =	simm.s32 @!p0 $0x1082;
	s9 =	sld [smem:$0x3FB8]  }
0x2f: {  	lr =	sadd.s32 s0, s3;
	s0 =	sld [smem:$0x3FAF]  }
0x30: {  	s3 =	sld [smem:$0x3FB2]  }
0x31: {  	[smem:$0x3FBB] =	sst s10  }
0x32: {  	s10 =	sld [smem:$0x3FB9];
	_ =	sdelay $0x3  }
0x33: {  	p0 =	seq.s32 s10, $0x1;
	s10 =	sld [smem:$0x3FBB];
	_ =	sdelay $0x3  }
0x34: {  	[smem:$0x3FBB] =	sst s10  }
0x35: {  	s10 =	sld [smem:$0x3FBA];
	_ =	sdelay $0x3  }
0x36: {  	p1 =	seq.s32 s10, $0x1;
	s10 =	sld [smem:$0x3FBB];
	_ =	sdelay $0x3  }
0x37: {  	[smem:$0x3FBB] =	sst s10  }
0x38: {  	s10 =	sld [smem:$0x3FBC]  }
0x39: {  	_ = 	snop;
	(pc) =	sbr.ind lr, $3  }
0x3a: {  	_ = 	snop  }
0x3b: {  	_ = 	snop  }
0x3c: {  	p2 =	seq.s32 s10, $0x1;
	s10 =	sld [smem:$0x3FBB]  }
0x3d: {  	_ =	shalt  }
0x3e: {  	_ =	shalt  }
0x3f: {  	_ =	shalt  }
0x40: {  	_ =	shalt  }
0x41: {  	_ =	shalt  }
0x42: {  	_ =	shalt  }
0x43: {  	_ =	shalt  }
0x44: {  	_ =	shalt  }
0x45: {  	_ =	shalt  }
0x46: {  	_ =	shalt  }
0x47: {  	_ =	shalt  }
0x48: {  	_ =	shalt  }
0x49: {  	_ =	shalt  }
0x4a: {  	_ =	shalt  }
0x4b: {  	_ =	shalt  }
0x4c: {  	_ =	shalt  }
0x4d: {  	_ =	shalt  }
0x4e: {  	_ =	shalt  }
0x4f: {  	_ =	shalt  }
0x50: {  	_ =	shalt  }
0x51: {  	_ =	shalt  }
0x52: {  	_ =	shalt  }
0x53: {  	_ =	shalt  }
0x54: {  	_ =	shalt  }
0x55: {  	_ =	shalt  }
0x56: {  	_ =	shalt  }
0x57: {  	_ =	shalt  }
0x58: {  	_ =	shalt  }
0x59: {  	_ =	shalt  }
0x5a: {  	_ =	shalt  }
0x5b: {  	_ =	shalt  }
0x5c: {  	_ =	shalt  }
0x5d: {  	_ =	shalt  }
0x5e: {  	_ =	shalt  }
0x5f: {  	_ =	shalt  }
0x60: {  	_ =	shalt  }
0x61: {  	_ =	shalt  }
0x62: {  	_ =	shalt  }
0x63: {  	_ =	shalt  }
0x64: {  	_ =	shalt  }
0x65: {  	_ =	shalt  }
0x66: {  	_ =	shalt  }
0x67: {  	_ =	shalt  }
0x68: {  	_ =	shalt  }
0x69: {  	_ =	shalt  }
0x6a: {  	_ =	shalt  }
0x6b: {  	_ =	shalt  }
0x6c: {  	_ =	shalt  }
0x6d: {  	_ =	shalt  }
0x6e: {  	_ =	shalt  }
0x6f: {  	_ =	shalt  }
0x70: {  	_ =	shalt  }
0x71: {  	_ =	shalt  }
0x72: {  	_ =	shalt  }
0x73: {  	_ =	shalt  }
0x74: {  	_ =	shalt  }
0x75: {  	_ =	shalt  }
0x76: {  	_ =	shalt  }
0x77: {  	_ =	shalt  }
0x78: {  	_ =	shalt  }
0x79: {  	_ =	shalt  }
0x7a: {  	_ =	shalt  }
0x7b: {  	_ =	shalt  }
0x7c: {  	_ =	shalt  }
0x7d: {  	_ =	shalt  }
0x7e: {  	_ =	shalt  }
0x7f: {  	_ =	shalt  }
0x80: {  	_ =	shalt  }
0x81: {  	_ =	shalt  }
0x82: {  	_ =	shalt  }
0x83: {  	_ =	shalt  }
0x84: {  	_ =	shalt  }
0x85: {  	_ =	shalt  }
0x86: {  	_ =	shalt  }
0x87: {  	_ =	shalt  }
.Lfunc_end0:
.L_simem_size_0:
called_computation_lowered:
.L_overlay_start_0:
0x88: {  	s2 =	sld [smem:$0x3FD9]  }
0x89: {  	s3 =	sld [smem:$0x3FFE];
	_ =	sdelay $0x1  }
0x8a: {  	s1 =	srdreg.scid  }
0x8b: {  	s0 =	sand.u32 $0x1, s1  }
0x8c: {  	s17 =	sshll.u32 s0, $0xA;
	s2 =	sadd.s32 s3, s2  }
0x8d: {  	s2 =	sadd.s32 s2, s17  }
0x8e: {  	[smem:$0x3FC7] =	sst s2  }
0x8f: {  	_ = 	snop  }
0x90: {  	s2 =	sld [smem:$0x3FC9];
	(tm) =	ssettm $0x1  }
0x91: {  	s18 =	sld [smem:$0x3FFB];
	_ =	sdelay $0x3  }
0x92: {  	_ =	strace s18  }
0x93: {  	s3 =	sld [smem:$0x3FFC];
	_ =	sdelay $0x3  }
0x94: {  	_ =	strace s3  }
0x95: {  	s3 =	sld [smem:$0x3FFD];
	_ =	sdelay $0x3  }
0x96: {  	_ =	strace s3  }
0x97: {  	_ =	strace $0x8FFFFFFF  }
0x98: {  	s19 =	sld [smem:$0x3FDB];
	_ =	sdelay $0x1  }
0x99: {  	s4 =	simm.s32 $_scs_section_size  }
0x9a: {  	s5 =	simm.s32 $_size__tile_overlayer_lowered;
	s6 =	simm.s32 $_tile_overlayer_lowered  }
0x9b: {  	s22 =	simm.s32 $0x1BFF;
	s21 =	sshll.u32 s6, $0x1;
	s3 =	sadd.s32 s4, s19  }
0x9c: {  	s7 =	simm.s32 $0x0;
	s20 =	sshll.u32 s5, $0x1;
	s5 =	sadd.s32 s21, s3  }
0x9d: {  	[timem:s7], [sflag:s22] =	dma.local [hbm:s5], s20  }
0x9e: {  	_ =	swait.ge [sflag:s22], s20  }
0x9f: {  	s4 =	ssub.s32 $0x0, s20;
	[sflag:s22] =	ssyncset.done $0x0  }
0xa0: {  	[sflag:s22] =	ssyncadd.s32 s4;
	_ =	sdelay $0x1  }
0xa1: {  	s23 =	simm.s32 $0x1B8B  }
0xa2: {  	_ =	swait.ge [sflag:s23], $0x1  }
0xa3: {  	[sflag:s23] =	ssyncset.done $0x0  }
0xa4: {  	s25 =	simm.s32 $0x1B8E;
	s24 =	sld [smem:$0x3FFE];
	[sflag:s23] =	ssyncadd.s32 $0xFFFFFFFF  }
0xa5: {  	s26 =	simm.s32 $execute0_lowered;
	[smem:$0x3FD2] =	sst s25  }
0xa6: {  	s5 =	sshll.u32 s26, $0x1;
	_ =	strace $0x80000046;
	[dreg:$0x1] =	wrdreg $0xFFFFFFFF  }
0xa7: {  	s28 =	simm.s32 $_size_execute0_lowered;
	s3 =	sadd.s32 s3, s5;
	[dreg:$0x0] =	wrdreg $0x0  }
0xa8: {  	s5 =	sshll.u32 s28, $0x1;
	[dreg:$0x2] =	wrdreg s3  }
0xa9: {  	[dreg:$0x3] =	wrdreg s5  }
0xaa: {  	[dreg:$0x4] =	wrdreg $0xC0  }
0xab: {  	_ =	task [dreg:s7], $0x5FFFF  }
0xac: {  	[dreg:$0x1] =	wrdreg $0xFFFFFFFF  }
0xad: {  	[dreg:$0x0] =	wrdreg $0x60  }
0xae: {  	[dreg:$0x2] =	wrdreg s2  }
0xaf: {  	[dreg:$0x3] =	wrdreg s24  }
0xb0: {  	[dreg:$0x4] =	wrdreg $0x9  }
0xb1: {  	_ =	task.clear_ibuf [dreg:s7], $0x5FFFF;
	_ =	strace $0x90000046  }
0xb2: {  	s29 =	simm.s32 $0x9;
	_ =	strace $0x80000048  }
0xb3: {  	_ =	swait.ge [sflag:s29], $0x1  }
0xb4: {  	[sflag:s29] =	ssyncadd.s32 $0xFFFFFFFF  }
0xb5: {  	_ =	strace $0x90000048  }
0xb6: {  	_ =	sfence  }
0xb7: {  	s30 =	sld [smem:$0x0];
	_ =	sdelay $0x2  }
0xb8: {  	s31 =	sshll.u32 s1, $0xD;
	s1 =	sshrl.u32 s1, $0x2  }
0xb9: {  	s3 =	sand.u32 $0x4000, s31;
	s1 =	sadd.s32 s1, s30  }
0xba: {  	s0 =	sor.u32 s3, s0;
	s1 =	sshll.u32 s1, $0x11  }
0xbb: {  	s0 =	sor.u32 s1, s0  }
0xbc: {  	s0 =	sadd.s32 $0x8F2B, s0  }
0xbd: {  	[sflag:s0] =	ssyncadd.remote.s32 $0x1  }
0xbe: {  	_ =	sfence.sel $0xFFFF  }
0xbf: {  	[dreg:$0x0] =	wrdreg $0xFFFFFFFF;
	(pc) =	sbr.abs _section_cstart, $3  }
0xc0: {  	[dreg:$0x1] =	wrdreg $0xFFFFFFFF  }
0xc1: {  	_ =	task.clear_ibuf [dreg:s7], $0x2FFFF;
	_ =	strace $0x9FFFFFFF  }
0xc2: {  	(tm) =	ssettm $0x7FFFFFFF  }
0xc3: {  	_ =	shalt  }
tec
execute0_lowered:
.L_overlay_start_1:
0x0: {  	(tag) =	ssettag $0x1  }
0x1: {  	s3 =	stileid.u32  }
0x2: {  	p0 =	sgt.u32 s3, $0xB  }
.Ltmp0:
0x3: {  	_ = 	snop;
	(pc) =	sbr.rel @p0 .LBB2_19-.Ltmp0, $4  }
0x4: {  	_ = 	snop  }
0x5: {  	s0 =	rddreg [dreg:$0x0];
	s2 =	simm.s32 $0x0  }
0x6: {  	[smem:$0x7FF] =	sst s2  }
0x7: {  	s1 =	rddreg [dreg:$0x1];
	_ =	strace $0x80000047  }
0x8: {  	s3 =	srdreg.scid;
	s8 =	stileid.u32;
	s13 =	simm.s32 $0x80  }
0x9: {  	s14 =	simm.s32 $0x400;
	s28 =	simm.s32 $0x6;
	s29 =	simm.s32 $0x7  }
0xa: {  	s30 =	simm.s32 $0x8;
	s4 =	sand.u32 $0x1, s3;
	s19 =	sshll.u32 s8, $0x1  }
0xb: {  	s31 =	simm.s32 $0x10000;
	s8 =	sshll.u32 s8, $0x11;
	s3 =	sor.u32 s4, s19  }
0xc: {  	s23 =	ssub.s32 $0x2, s4;
	s19 =	simm.s32 $0xA000;
	s5 =	sshll.u32 s3, $0x1  }
0xd: {  	s6 =	sshll.u32 s3, $0x4;
	s7 =	sshll.u32 s3, $0x8;
	s24 =	sshrl.u32 s23, $0x1  }
0xe: {  	s5 =	sadd.s32 $0x51, s5;
	s1 =	sadd.s32 s6, s1;
	s22 =	sor.u32 s7, s8  }
0xf: {  	s12 =	ssub.s32 s23, s24;
	s23 =	simm.s32 $0x2;
	s24 =	simm.s32 $0x3  }
0x10: {  	s20 =	sshll.u32 s5, $0xC;
	s5 =	sshll.u32 s5, $0x4;
	s3 =	sadd.s32 $0x200, s1  }
0x11: {  	s9 =	sand.u32 $0x1C0300, s22;
	s12 =	smax.u32 s12, $0x1;
	s22 =	simm.s32 $0x1  }
0x12: {  	s21 =	sor.u32 s5, s20;
	s25 =	sadd.s32 $0x2B0000, s9;
	s26 =	sadd.s32 $0x2A0000, s9  }
0x13: {  	s10 =	sadd.s32 $0x290000, s9;
	s9 =	sadd.s32 $0x280000, s9;
	s20 =	simm.s32 $0xC000  }
0x14: {  	s1 =	sand.u32 $0xF8070, s21;
	s10 =	sshrl.u32 s10, $0x3;
	s11 =	sshrl.u32 s9, $0x3  }
0x15: {  	s21 =	simm.s32 $0xE000;
	s4 =	sadd.s32 s0, s1;
	s1 =	sshrl.u32 s25, $0x3  }
0x16: {  	s10 =	sadd.s32 s0, s10;
	s11 =	sadd.s32 s0, s11;
	s25 =	simm.s32 $0x4  }
0x17: {  	s5 =	sadd.s32 $0x6000, s4;
	s6 =	sadd.s32 $0x4000, s4;
	s7 =	sadd.s32 $0x2000, s4  }
0x18: {  	s8 =	sadd.s32 s0, s1;
	s1 =	sshrl.u32 s26, $0x3;
	s26 =	simm.s32 $0x5  }
0x19: {  	v0 =	vlaneseq.u32;
	vm0 =	vcmask $0x300;
	vm1 =	vcmask $0x704;
	s9 =	sadd.s32 s0, s1;
	s0 =	simm.s32 $0x9;
	s1 =	simm.s32 $0x0  }
.LBB2_2:
0x1a: {  	s15 =	simm.s32 $0x0  }
0x1b: {  	[tilespmem:s15], [sflag:$0x1] =	stream.strided.gather [hbm4b:s11+s13], $0x2000, s14, s13, $0x38;
	[tilespmem:$0x10080] =	vst v63  }
0x1c: {  	s16 =	simm.s32 $0x2000  }
0x1d: {  	[tilespmem:s16], [sflag:$0x2] =	stream.strided.gather [hbm4b:s10+s13], $0x2000, s14, s13, $0x38;
	[tilespmem:$0x10080] =	vst v63  }
0x1e: {  	s17 =	simm.s32 $0x4000  }
0x1f: {  	[tilespmem:s17], [sflag:$0x3] =	stream.strided.gather [hbm4b:s9+s13], $0x2000, s14, s13, $0x38;
	[tilespmem:$0x10080] =	vst v63  }
0x20: {  	s18 =	simm.s32 $0x6000  }
0x21: {  	[tilespmem:s18], [sflag:$0x4] =	stream.strided.gather [hbm4b:s8+s13], $0x2000, s14, s13, $0x38;
	[tilespmem:$0x10080] =	vst v63  }
0x22: {  	s17 =	simm.s32 $0x8000  }
0x23: {  	[tilespmem:s17], [sflag:$0x5] =	stream.strided.gather [hbm4b:s4+s13], $0x2000, s14, s13, $0x38;
	[tilespmem:$0x10080] =	vst v63  }
0x24: {  	_ = 	snop  }
0x25: {  	[tilespmem:s19], [sflag:$0x6] =	stream.strided.gather [hbm4b:s7+s13], $0x2000, s14, s13, $0x38;
	[tilespmem:$0x10080] =	vst v63  }
0x26: {  	_ = 	snop  }
0x27: {  	[tilespmem:s20], [sflag:$0x7] =	stream.strided.gather [hbm4b:s6+s13], $0x2000, s14, s13, $0x38;
	[tilespmem:$0x10080] =	vst v63  }
0x28: {  	_ = 	snop  }
0x29: {  	[tilespmem:s21], [sflag:$0x8] =	stream.strided.gather [hbm4b:s5+s13], $0x2000, s14, s13, $0x38;
	[tilespmem:$0x10080] =	vst v63  }
0x2a: {  	_ =	swait.ge [sflag:s22], $0x2000  }
0x2b: {  	[sflag:s22] =	ssyncset.done $0x0  }
0x2c: {  	s18 =	simm.s32 $0x40;
	[sflag:s22] =	ssyncadd.s32 $0xFFFFE000  }
0x2d: {  	v3 =	vld [tilespmem:s18+$0xFFFFFFC0]  }
0x2e: {  	v5 =	vld [tilespmem:s18+$0xFFFFFFD0]  }
0x2f: {  	v7 =	vld [tilespmem:s18+$0xFFFFFFE0]  }
0x30: {  	v8 =	vld [tilespmem:s18+$0xFFFFFFF0]  }
0x31: {  	v9 =	vld [tilespmem:s18+$0x0]  }
0x32: {  	v11 =	vld [tilespmem:s18+$0x10]  }
0x33: {  	v12 =	vld [tilespmem:s18+$0x20];
	_ =	sdelay $0x1  }
0x34: {  	v13 =	vimm.f32 $-Inf;
	s17 =	simm.s32 $0xC0;
	v14 =	vld [tilespmem:s18+$0x30]  }
0x35: {  	v1 =	vimm.s32 $0x0;
	v23 =	vld [tilespmem:s17+$0xFFFFFFC0];
	vm2 =	vgt.f32 v3, v13;
	vm3 =	vgt.f32 v5, v13  }
0x36: {  	v2 =	vld [tilespmem:s17+$0xFFFFFFD0];
	vm4 =	vgt.f32 v7, v13;
	vm5 =	vgt.f32 v8, v13;
	vm6 =	vgt.f32 v9, v13  }
0x37: {  	v24 =	vld [tilespmem:s17+$0xFFFFFFE0];
	vm7 =	vgt.f32 v11, v13;
	vm8 =	vgt.f32 v12, v13;
	v4 =	vsel vm2, v3, v13  }
0x38: {  	v17 =	vld [tilespmem:s17+$0x0];
	v6 =	vsel vm2, s15, v1;
	v5 =	vsel vm3, v5, v13;
	v7 =	vsel vm4, v7, v13  }
0x39: {  	v10 =	vld [tilespmem:s17+$0x10];
	v8 =	vsel vm5, v8, v13;
	v9 =	vsel vm6, v9, v13;
	vm2 =	vgt.f32 v14, v13  }
0x3a: {  	v3 =	vld [tilespmem:s17+$0xFFFFFFF0];
	v11 =	vsel vm7, v11, v13;
	v12 =	vsel vm8, v12, v13;
	v15 =	vsel vm4, s15, v1  }
0x3b: {  	v21 =	vld [tilespmem:s17+$0x20];
	v16 =	vsel vm5, s15, v1;
	v18 =	vsel vm6, s15, v1;
	v19 =	vsel vm7, s15, v1  }
0x3c: {  	s16 =	simm.s32 $0x1;
	v22 =	vld [tilespmem:s17+$0x30];
	s18 =	simm.s32 $0x2;
	s17 =	simm.s32 $0x140;
	v20 =	vsel vm8, s15, v1;
	v13 =	vsel vm2, v14, v13;
	v14 =	vsel vm3, s15, v1  }
.LBB2_3:
0x3d: {  	v25 =	vld [tilespmem:s17+$0xFFFFFFC0];
	p0 =	sne.s32 s18, $0x3F;
	vm3 =	vgt.f32 v23, v4;
	vm4 =	vgt.f32 v2, v5;
	v1 =	vsel vm2, s15, v1;
	s15 =	smov.u32 s16;
	s16 =	smov.u32 s18  }
0x3e: {  	v4 =	vsel vm3, v23, v4;
	v6 =	vsel vm3, s15, v6;
	v5 =	vsel vm4, v2, v5;
	v2 =	vld [tilespmem:s17+$0xFFFFFFD0]  }
0x3f: {  	vm5 =	vgt.f32 v3, v8;
	vm3 =	vgt.f32 v24, v7;
	vm6 =	vgt.f32 v17, v9;
	v26 =	vld [tilespmem:s17+$0xFFFFFFE0]  }
.Ltmp1:
0x40: {  	v8 =	vsel vm5, v3, v8;
	v7 =	vsel vm3, v24, v7;
	v9 =	vsel vm6, v17, v9;
	v3 =	vld [tilespmem:s17+$0xFFFFFFF0];
	(pc) =	sbr.rel @p0 .LBB2_3-.Ltmp1, $4  }
0x41: {  	vm7 =	vgt.f32 v10, v11;
	vm8 =	vgt.f32 v21, v12;
	v17 =	vld [tilespmem:s17+$0x0];
	vm2 =	vgt.f32 v22, v13  }
0x42: {  	v11 =	vsel vm7, v10, v11;
	v12 =	vsel vm8, v21, v12;
	v10 =	vld [tilespmem:s17+$0x10];
	v13 =	vsel vm2, v22, v13;
	v23 =	vmovc v25  }
0x43: {  	v14 =	vsel vm4, s15, v14;
	v16 =	vsel vm5, s15, v16;
	v15 =	vsel vm3, s15, v15;
	v21 =	vld [tilespmem:s17+$0x20]  }
0x44: {  	s18 =	sadd.s32 $0x1, s18;
	v18 =	vsel vm6, s15, v18;
	v19 =	vsel vm7, s15, v19;
	v20 =	vsel vm8, s15, v20;
	v22 =	vld [tilespmem:s17+$0x30];
	s17 =	sadd.s32 $0x80, s17;
	v24 =	vmovc v26  }
0x45: {  	_ =	swait.ge [sflag:s23], $0x2000  }
0x46: {  	[sflag:s23] =	ssyncset.done $0x0  }
0x47: {  	s17 =	simm.s32 $0x2070;
	[sflag:s23] =	ssyncadd.s32 $0xFFFFE000  }
0x48: {  	vm3 =	vgt.f32 v23, v4;
	vm4 =	vgt.f32 v2, v5;
	v1 =	vsel vm2, s15, v1;
	v25 =	vld [tilespmem:s17+$0xFFFFFF90]  }
0x49: {  	vm2 =	vgt.f32 v24, v7;
	v4 =	vsel vm3, v23, v4;
	v6 =	vsel vm3, s16, v6;
	v26 =	vld [tilespmem:s17+$0xFFFFFFA0]  }
0x4a: {  	v5 =	vsel vm4, v2, v5;
	vm3 =	vgt.f32 v3, v8;
	vm5 =	vgt.f32 v17, v9;
	v27 =	vld [tilespmem:s17+$0xFFFFFFB0]  }
0x4b: {  	v7 =	vsel vm2, v24, v7;
	v14 =	vsel vm4, s16, v14;
	v9 =	vsel vm5, v17, v9;
	v17 =	vld [tilespmem:s17+$0xFFFFFFC0]  }
0x4c: {  	v15 =	vsel vm2, s16, v15;
	v8 =	vsel vm3, v3, v8;
	vm6 =	vgt.f32 v10, v11;
	v28 =	vld [tilespmem:s17+$0xFFFFFFD0]  }
0x4d: {  	s18 =	simm.s32 $0x20F0;
	v16 =	vsel vm3, s16, v16;
	v18 =	vsel vm5, s16, v18;
	vm7 =	vgt.f32 v21, v12;
	v29 =	vld [tilespmem:s17+$0x0]  }
0x4e: {  	v11 =	vsel vm6, v10, v11;
	v19 =	vsel vm6, s16, v19;
	v23 =	vld [tilespmem:s18+$0xFFFFFF90];
	vm8 =	vgt.f32 v22, v13  }
0x4f: {  	v12 =	vsel vm7, v21, v12;
	v21 =	vld [tilespmem:s17+$0xFFFFFFE0];
	v20 =	vsel vm7, s16, v20;
	v13 =	vsel vm8, v22, v13  }
0x50: {  	v2 =	vld [tilespmem:s18+$0xFFFFFFA0];
	v1 =	vsel vm8, s16, v1;
	vm2 =	vgt.f32 v25, v4;
	vm3 =	vgt.f32 v26, v5  }
0x51: {  	v22 =	vld [tilespmem:s17+$0xFFFFFFF0];
	s16 =	simm.s32 $0x40;
	vm4 =	vgt.f32 v27, v7;
	vm12 =	vgt.f32 v17, v8;
	vm13 =	vgt.f32 v28, v9  }
0x52: {  	v24 =	vld [tilespmem:s18+$0xFFFFFFB0];
	v4 =	vsel vm2, v25, v4;
	v6 =	vsel vm2, s16, v6;
	v5 =	vsel vm3, v26, v5  }
0x53: {  	v3 =	vld [tilespmem:s18+$0xFFFFFFC0];
	v7 =	vsel vm4, v27, v7;
	v8 =	vsel vm12, v17, v8;
	v9 =	vsel vm13, v28, v9  }
0x54: {  	v10 =	vld [tilespmem:s18+$0xFFFFFFE0];
	vm14 =	vgt.f32 v21, v11;
	vm2 =	vgt.f32 v29, v13;
	v14 =	vsel vm3, s16, v14  }
0x55: {  	v17 =	vld [tilespmem:s18+$0xFFFFFFD0];
	v15 =	vsel vm4, s16, v15;
	v16 =	vsel vm12, s16, v16;
	v18 =	vsel vm13, s16, v18  }
0x56: {  	vm15 =	vgt.f32 v22, v12;
	v11 =	vsel vm14, v21, v11;
	v13 =	vsel vm2, v29, v13;
	v21 =	vld [tilespmem:s18+$0xFFFFFFF0]  }
0x57: {  	s15 =	simm.s32 $0x41;
	s17 =	simm.s32 $0x2170;
	v19 =	vsel vm14, s16, v19;
	v12 =	vsel vm15, v22, v12;
	v22 =	vld [tilespmem:s18+$0x0];
	s18 =	simm.s32 $0x42;
	v20 =	vsel vm15, s16, v20  }
.LBB2_5:
0x58: {  	v25 =	vld [tilespmem:s17+$0xFFFFFF90];
	p0 =	sne.s32 s18, $0x7F;
	vm3 =	vgt.f32 v23, v4;
	vm4 =	vgt.f32 v2, v5;
	v1 =	vsel vm2, s16, v1;
	s16 =	smov.u32 s15;
	s15 =	smov.u32 s18  }
0x59: {  	v4 =	vsel vm3, v23, v4;
	v6 =	vsel vm3, s16, v6;
	v5 =	vsel vm4, v2, v5;
	v2 =	vld [tilespmem:s17+$0xFFFFFFA0]  }
0x5a: {  	vm5 =	vgt.f32 v3, v8;
	vm3 =	vgt.f32 v24, v7;
	vm6 =	vgt.f32 v17, v9;
	v26 =	vld [tilespmem:s17+$0xFFFFFFB0]  }
.Ltmp2:
0x5b: {  	v8 =	vsel vm5, v3, v8;
	v7 =	vsel vm3, v24, v7;
	v9 =	vsel vm6, v17, v9;
	v3 =	vld [tilespmem:s17+$0xFFFFFFC0];
	(pc) =	sbr.rel @p0 .LBB2_5-.Ltmp2, $4  }
0x5c: {  	vm7 =	vgt.f32 v10, v11;
	vm8 =	vgt.f32 v21, v12;
	v17 =	vld [tilespmem:s17+$0xFFFFFFD0];
	vm2 =	vgt.f32 v22, v13  }
0x5d: {  	v11 =	vsel vm7, v10, v11;
	v12 =	vsel vm8, v21, v12;
	v10 =	vld [tilespmem:s17+$0xFFFFFFE0];
	v13 =	vsel vm2, v22, v13;
	v23 =	vmovc v25  }
0x5e: {  	v14 =	vsel vm4, s16, v14;
	v16 =	vsel vm5, s16, v16;
	v15 =	vsel vm3, s16, v15;
	v21 =	vld [tilespmem:s17+$0xFFFFFFF0]  }
0x5f: {  	s18 =	sadd.s32 $0x1, s18;
	v18 =	vsel vm6, s16, v18;
	v19 =	vsel vm7, s16, v19;
	v20 =	vsel vm8, s16, v20;
	v22 =	vld [tilespmem:s17+$0x0];
	s17 =	sadd.s32 $0x80, s17;
	v24 =	vmovc v26  }
0x60: {  	_ =	swait.ge [sflag:s24], $0x2000  }
0x61: {  	[sflag:s24] =	ssyncset.done $0x0  }
0x62: {  	s17 =	simm.s32 $0x0;
	[sflag:s24] =	ssyncadd.s32 $0xFFFFE000  }
0x63: {  	v25 =	vld [tilespmem:s17+$0x4000]  }
0x64: {  	vm3 =	vgt.f32 v23, v4;
	vm4 =	vgt.f32 v2, v5;
	v1 =	vsel vm2, s16, v1;
	v28 =	vld [tilespmem:s17+$0x4010]  }
0x65: {  	vm2 =	vgt.f32 v24, v7;
	v26 =	vsel vm3, v23, v4;
	v6 =	vsel vm3, s15, v6;
	v29 =	vld [tilespmem:s17+$0x4020]  }
0x66: {  	v27 =	vsel vm4, v2, v5;
	vm3 =	vgt.f32 v3, v8;
	vm5 =	vgt.f32 v17, v9;
	v31 =	vld [tilespmem:s17+$0x4030]  }
0x67: {  	v24 =	vsel vm2, v24, v7;
	v36 =	vsel vm4, s15, v14;
	v37 =	vsel vm2, s15, v15;
	v35 =	vld [tilespmem:s17+$0x4050]  }
0x68: {  	v30 =	vsel vm3, v3, v8;
	v17 =	vsel vm5, v17, v9;
	vm6 =	vgt.f32 v10, v11;
	v15 =	vld [tilespmem:s17+$0x4060]  }
0x69: {  	v38 =	vsel vm3, s15, v16;
	v3 =	vsel vm5, s15, v18;
	vm7 =	vgt.f32 v21, v12;
	v16 =	vld [tilespmem:s17+$0x4070]  }
0x6a: {  	v32 =	vld [tilespmem:s17+$0x4040];
	v33 =	vsel vm6, v10, v11;
	v4 =	vsel vm6, s15, v19;
	vm8 =	vgt.f32 v22, v13  }
0x6b: {  	s16 =	simm.s32 $0x80;
	v21 =	vsel vm7, v21, v12;
	v5 =	vsel vm7, s15, v20;
	v34 =	vsel vm8, v22, v13  }
0x6c: {  	v23 =	vld [tilespmem:s16+$0x4000];
	v1 =	vsel vm8, s15, v1;
	vm2 =	vgt.f32 v25, v26;
	vm6 =	vgt.f32 v28, v27  }
0x6d: {  	v2 =	vld [tilespmem:s16+$0x4010];
	vm7 =	vgt.f32 v29, v24;
	vm15 =	vgt.f32 v31, v30;
	vm4 =	vgt.f32 v35, v33  }
0x6e: {  	s15 =	simm.s32 $0x80;
	v22 =	vld [tilespmem:s16+$0x4020];
	vm5 =	vgt.f32 v15, v21;
	vm3 =	vgt.f32 v16, v34;
	v7 =	vsel vm2, v25, v26  }
0x6f: {  	v20 =	vld [tilespmem:s16+$0x4040];
	v9 =	vsel vm2, s15, v6;
	v8 =	vsel vm6, v28, v27;
	vm2 =	vgt.f32 v32, v17  }
0x70: {  	v13 =	vld [tilespmem:s16+$0x4050];
	v10 =	vsel vm7, v29, v24;
	v11 =	vsel vm15, v31, v30;
	v14 =	vsel vm4, v35, v33  }
0x71: {  	v6 =	vld [tilespmem:s16+$0x4030];
	v15 =	vsel vm5, v15, v21;
	v16 =	vsel vm3, v16, v34;
	v18 =	vsel vm7, s15, v37  }
0x72: {  	s17 =	simm.s32 $0x400;
	v21 =	vld [tilespmem:s16+$0x4060];
	v19 =	vsel vm15, s15, v38;
	v12 =	vsel vm2, v32, v17;
	v17 =	vsel vm6, s15, v36  }
.LBB2_7:
0x73: {  	p0 =	sne.s32 s17, $0x7E00;
	v24 =	vld [tilespmem:s16+$0x4070];
	s16 =	sshra.s32 s17, $0x2;
	v3 =	vsel vm2, s15, v3;
	v4 =	vsel vm4, s15, v4;
	v5 =	vsel vm5, s15, v5;
	v25 =	vmovc v22  }
0x74: {  	vm2 =	vgt.f32 v23, v7;
	vm6 =	vgt.f32 v2, v8;
	v1 =	vsel vm3, s15, v1;
	s15 =	sadd.s32 $0x1, s15;
	v26 =	vld [tilespmem:s16+$0x4000]  }
0x75: {  	v7 =	vsel vm2, v23, v7;
	v9 =	vsel vm2, s15, v9;
	v8 =	vsel vm6, v2, v8;
	v2 =	vld [tilespmem:s16+$0x4010]  }
.Ltmp3:
0x76: {  	vm7 =	vgt.f32 v25, v10;
	vm8 =	vgt.f32 v6, v11;
	vm2 =	vgt.f32 v20, v12;
	v22 =	vld [tilespmem:s16+$0x4020];
	(pc) =	sbr.rel @p0 .LBB2_7-.Ltmp3, $4  }
0x77: {  	v10 =	vsel vm7, v25, v10;
	v11 =	vsel vm8, v6, v11;
	v12 =	vsel vm2, v20, v12;
	v6 =	vld [tilespmem:s16+$0x4030]  }
0x78: {  	vm4 =	vgt.f32 v13, v14;
	vm5 =	vgt.f32 v21, v15;
	v20 =	vld [tilespmem:s16+$0x4040];
	vm3 =	vgt.f32 v24, v16  }
0x79: {  	v14 =	vsel vm4, v13, v14;
	v15 =	vsel vm5, v21, v15;
	v13 =	vld [tilespmem:s16+$0x4050];
	v16 =	vsel vm3, v24, v16;
	v23 =	vmovc v26  }
0x7a: {  	s17 =	sadd.s32 $0x200, s17;
	v17 =	vsel vm6, s15, v17;
	v18 =	vsel vm7, s15, v18;
	v19 =	vsel vm8, s15, v19;
	v21 =	vld [tilespmem:s16+$0x4060]  }
0x7b: {  	v24 =	vld [tilespmem:s16+$0x4070];
	_ =	swait.ge [sflag:s25], $0x2000  }
0x7c: {  	[sflag:s25] =	ssyncset.done $0x0  }
0x7d: {  	v3 =	vsel vm2, s15, v3;
	v25 =	vsel vm4, s15, v4;
	v26 =	vsel vm5, s15, v5;
	s17 =	simm.s32 $0x0;
	[sflag:s25] =	ssyncadd.s32 $0xFFFFE000  }
0x7e: {  	vm2 =	vgt.f32 v23, v7;
	vm4 =	vgt.f32 v2, v8;
	v1 =	vsel vm3, s15, v1;
	s18 =	sadd.s32 $0x1, s15;
	v27 =	vld [tilespmem:s17+$0x6000]  }
0x7f: {  	v7 =	vsel vm2, v23, v7;
	v23 =	vsel vm2, s18, v9;
	v8 =	vsel vm4, v2, v8;
	v28 =	vld [tilespmem:s17+$0x6010]  }
0x80: {  	vm2 =	vgt.f32 v22, v10;
	vm3 =	vgt.f32 v6, v11;
	v34 =	vsel vm4, s18, v17;
	v29 =	vld [tilespmem:s17+$0x6020]  }
0x81: {  	vm5 =	vgt.f32 v20, v12;
	v22 =	vsel vm2, v22, v10;
	v11 =	vsel vm3, v6, v11;
	v30 =	vld [tilespmem:s17+$0x6030]  }
0x82: {  	v35 =	vsel vm2, s18, v18;
	v19 =	vsel vm3, s18, v19;
	v20 =	vsel vm5, v20, v12;
	v33 =	vld [tilespmem:s17+$0x6050]  }
0x83: {  	vm6 =	vgt.f32 v13, v14;
	v18 =	vld [tilespmem:s17+$0x6060];
	v4 =	vsel vm5, s18, v3;
	vm7 =	vgt.f32 v21, v15  }
0x84: {  	v31 =	vld [tilespmem:s17+$0x6040];
	v14 =	vsel vm6, v13, v14;
	v5 =	vsel vm6, s18, v25;
	vm8 =	vgt.f32 v24, v16  }
0x85: {  	s16 =	simm.s32 $0x80;
	v25 =	vld [tilespmem:s17+$0x6070];
	v21 =	vsel vm7, v21, v15;
	v3 =	vsel vm7, s18, v26;
	v32 =	vsel vm8, v24, v16  }
0x86: {  	v10 =	vld [tilespmem:s16+$0x6000];
	v1 =	vsel vm8, s18, v1;
	vm2 =	vgt.f32 v27, v7;
	vm6 =	vgt.f32 v28, v8  }
0x87: {  	s15 =	simm.s32 $0xC0;
	v2 =	vld [tilespmem:s16+$0x6010];
	vm7 =	vgt.f32 v29, v22;
	vm15 =	vgt.f32 v30, v11;
	vm5 =	vgt.f32 v33, v14  }
0x88: {  	v24 =	vld [tilespmem:s16+$0x6020];
	vm4 =	vgt.f32 v18, v21;
	v9 =	vsel vm2, v27, v7;
	v12 =	vsel vm2, s15, v23  }
0x89: {  	v16 =	vld [tilespmem:s16+$0x6050];
	v6 =	vsel vm6, v28, v8;
	vm2 =	vgt.f32 v31, v20;
	v13 =	vsel vm7, v29, v22  }
0x8a: {  	v7 =	vld [tilespmem:s16+$0x6030];
	v15 =	vsel vm15, v30, v11;
	vm3 =	vgt.f32 v25, v32;
	v17 =	vsel vm5, v33, v14  }
0x8b: {  	v22 =	vld [tilespmem:s16+$0x6040];
	v18 =	vsel vm4, v18, v21;
	v21 =	vsel vm7, s15, v35;
	v19 =	vsel vm15, s15, v19  }
0x8c: {  	s17 =	simm.s32 $0x400;
	v23 =	vld [tilespmem:s16+$0x6060];
	v8 =	vsel vm2, v31, v20;
	v11 =	vsel vm3, v25, v32;
	v20 =	vsel vm6, s15, v34  }
.LBB2_9:
0x8d: {  	p0 =	sne.s32 s17, $0x7E00;
	v14 =	vld [tilespmem:s16+$0x6070];
	s16 =	sshra.s32 s17, $0x2;
	v4 =	vsel vm2, s15, v4;
	v5 =	vsel vm5, s15, v5;
	v3 =	vsel vm4, s15, v3;
	v25 =	vmovc v24  }
0x8e: {  	vm2 =	vgt.f32 v10, v9;
	vm6 =	vgt.f32 v2, v6;
	v1 =	vsel vm3, s15, v1;
	s15 =	sadd.s32 $0x1, s15;
	v26 =	vld [tilespmem:s16+$0x6000]  }
0x8f: {  	v9 =	vsel vm2, v10, v9;
	v12 =	vsel vm2, s15, v12;
	v6 =	vsel vm6, v2, v6;
	v2 =	vld [tilespmem:s16+$0x6010]  }
.Ltmp4:
0x90: {  	vm7 =	vgt.f32 v25, v13;
	vm8 =	vgt.f32 v7, v15;
	vm2 =	vgt.f32 v22, v8;
	v24 =	vld [tilespmem:s16+$0x6020];
	(pc) =	sbr.rel @p0 .LBB2_9-.Ltmp4, $4  }
0x91: {  	v13 =	vsel vm7, v25, v13;
	v15 =	vsel vm8, v7, v15;
	v8 =	vsel vm2, v22, v8;
	v7 =	vld [tilespmem:s16+$0x6030]  }
0x92: {  	vm5 =	vgt.f32 v16, v17;
	vm4 =	vgt.f32 v23, v18;
	v22 =	vld [tilespmem:s16+$0x6040];
	vm3 =	vgt.f32 v14, v11  }
0x93: {  	v17 =	vsel vm5, v16, v17;
	v18 =	vsel vm4, v23, v18;
	v16 =	vld [tilespmem:s16+$0x6050];
	v11 =	vsel vm3, v14, v11;
	v10 =	vmovc v26  }
0x94: {  	s17 =	sadd.s32 $0x200, s17;
	v20 =	vsel vm6, s15, v20;
	v21 =	vsel vm7, s15, v21;
	v19 =	vsel vm8, s15, v19;
	v23 =	vld [tilespmem:s16+$0x6060]  }
0x95: {  	v25 =	vld [tilespmem:s16+$0x6070];
	_ =	swait.ge [sflag:s26], $0x2000  }
0x96: {  	[sflag:s26] =	ssyncset.done $0x0  }
0x97: {  	v26 =	vsel vm2, s15, v4;
	v5 =	vsel vm5, s15, v5;
	s17 =	simm.s32 $0x8040;
	[sflag:s26] =	ssyncadd.s32 $0xFFFFE000  }
0x98: {  	v3 =	vsel vm4, s15, v3;
	vm2 =	vgt.f32 v10, v9;
	vm14 =	vgt.f32 v2, v6;
	s18 =	sadd.s32 $0x1, s15;
	v28 =	vld [tilespmem:s17+$0xFFFFFFC0]  }
0x99: {  	v10 =	vsel vm2, v10, v9;
	v14 =	vsel vm2, s18, v12;
	vm2 =	vgt.f32 v24, v13;
	v29 =	vld [tilespmem:s17+$0xFFFFFFD0]  }
0x9a: {  	v27 =	vsel vm3, s15, v1;
	v35 =	vimm.f32 $-Inf;
	v9 =	vsel vm2, v24, v13;
	v24 =	vld [tilespmem:s17+$0xFFFFFFE0]  }
0x9b: {  	v12 =	vsel vm14, v2, v6;
	vm3 =	vgt.f32 v7, v15;
	vm15 =	vgt.f32 v22, v8;
	v30 =	vld [tilespmem:s17+$0xFFFFFFF0]  }
0x9c: {  	v7 =	vsel vm3, v7, v15;
	v15 =	vsel vm2, s18, v21;
	v13 =	vsel vm3, s18, v19;
	v31 =	vld [tilespmem:s17+$0x0]  }
0x9d: {  	v6 =	vsel vm15, v22, v8;
	vm6 =	vgt.f32 v16, v17;
	v32 =	vld [tilespmem:s17+$0x10];
	vm7 =	vgt.f32 v23, v18  }
0x9e: {  	v34 =	vld [tilespmem:s17+$0x20];
	v4 =	vsel vm6, v16, v17;
	v16 =	vsel vm14, s18, v20;
	v8 =	vsel vm6, s18, v5  }
0x9f: {  	v17 =	vimm.s32 $0x0;
	vm8 =	vgt.f32 v25, v11;
	v5 =	vsel vm7, s18, v3  }
0xa0: {  	v36 =	vld [tilespmem:s17+$0x30];
	v1 =	vsel vm8, v25, v11;
	v11 =	vsel vm15, s18, v26;
	v3 =	vsel vm8, s18, v27;
	s18 =	simm.s32 $0x80C0  }
0xa1: {  	v2 =	vsel vm7, v23, v18;
	v39 =	vld [tilespmem:s18+$0xFFFFFFC0];
	vm2 =	vgt.f32 v28, v35;
	vm3 =	vgt.f32 v29, v35  }
0xa2: {  	v18 =	vld [tilespmem:s18+$0xFFFFFFD0];
	vm4 =	vgt.f32 v24, v35;
	vm12 =	vgt.f32 v30, v35;
	vm13 =	vgt.f32 v31, v35  }
0xa3: {  	s16 =	simm.s32 $0x0;
	v40 =	vld [tilespmem:s18+$0xFFFFFFE0];
	vm14 =	vgt.f32 v32, v35;
	vm15 =	vgt.f32 v34, v35;
	v20 =	vsel vm2, v28, v35  }
0xa4: {  	v19 =	vld [tilespmem:s18+$0xFFFFFFF0];
	v22 =	vsel vm2, s16, v17;
	v21 =	vsel vm3, v29, v35;
	v23 =	vsel vm4, v24, v35  }
0xa5: {  	v33 =	vld [tilespmem:s18+$0x0];
	v24 =	vsel vm12, v30, v35;
	v25 =	vsel vm13, v31, v35;
	vm2 =	vgt.f32 v36, v35  }
0xa6: {  	v26 =	vld [tilespmem:s18+$0x10];
	v27 =	vsel vm14, v32, v35;
	v28 =	vsel vm15, v34, v35;
	v30 =	vsel vm3, s16, v17  }
0xa7: {  	v37 =	vld [tilespmem:s18+$0x20];
	v31 =	vsel vm4, s16, v17;
	v32 =	vsel vm12, s16, v17;
	v34 =	vsel vm13, s16, v17  }
0xa8: {  	s15 =	simm.s32 $0x1;
	s17 =	simm.s32 $0x8140;
	v38 =	vld [tilespmem:s18+$0x30];
	s18 =	simm.s32 $0x2;
	v29 =	vsel vm2, v36, v35;
	v35 =	vsel vm14, s16, v17;
	v36 =	vsel vm15, s16, v17  }
.LBB2_11:
0xa9: {  	v41 =	vld [tilespmem:s17+$0xFFFFFFC0];
	p0 =	sne.s32 s18, $0x3F;
	vm3 =	vgt.f32 v39, v20;
	vm4 =	vgt.f32 v18, v21;
	v17 =	vsel vm2, s16, v17;
	s16 =	smov.u32 s15;
	s15 =	smov.u32 s18  }
0xaa: {  	v20 =	vsel vm3, v39, v20;
	v22 =	vsel vm3, s16, v22;
	v21 =	vsel vm4, v18, v21;
	v18 =	vld [tilespmem:s17+$0xFFFFFFD0]  }
0xab: {  	vm5 =	vgt.f32 v19, v24;
	vm3 =	vgt.f32 v40, v23;
	vm6 =	vgt.f32 v33, v25;
	v42 =	vld [tilespmem:s17+$0xFFFFFFE0]  }
.Ltmp5:
0xac: {  	v24 =	vsel vm5, v19, v24;
	v23 =	vsel vm3, v40, v23;
	v25 =	vsel vm6, v33, v25;
	v19 =	vld [tilespmem:s17+$0xFFFFFFF0];
	(pc) =	sbr.rel @p0 .LBB2_11-.Ltmp5, $4  }
0xad: {  	vm7 =	vgt.f32 v26, v27;
	vm8 =	vgt.f32 v37, v28;
	v33 =	vld [tilespmem:s17+$0x0];
	vm2 =	vgt.f32 v38, v29  }
0xae: {  	v27 =	vsel vm7, v26, v27;
	v28 =	vsel vm8, v37, v28;
	v26 =	vld [tilespmem:s17+$0x10];
	v29 =	vsel vm2, v38, v29;
	v39 =	vmovc v41  }
0xaf: {  	v30 =	vsel vm4, s16, v30;
	v32 =	vsel vm5, s16, v32;
	v31 =	vsel vm3, s16, v31;
	v37 =	vld [tilespmem:s17+$0x20]  }
0xb0: {  	s18 =	sadd.s32 $0x1, s18;
	v34 =	vsel vm6, s16, v34;
	v35 =	vsel vm7, s16, v35;
	v36 =	vsel vm8, s16, v36;
	v38 =	vld [tilespmem:s17+$0x30];
	s17 =	sadd.s32 $0x80, s17;
	v40 =	vmovc v42  }
0xb1: {  	_ =	swait.ge [sflag:s28], $0x2000  }
0xb2: {  	[sflag:s28] =	ssyncset.done $0x0  }
0xb3: {  	s17 =	simm.s32 $0xA070;
	[sflag:s28] =	ssyncadd.s32 $0xFFFFE000  }
0xb4: {  	v41 =	vld [tilespmem:s17+$0xFFFFFF90]  }
0xb5: {  	vm3 =	vgt.f32 v39, v20;
	vm4 =	vgt.f32 v18, v21;
	v17 =	vsel vm2, s16, v17;
	v42 =	vld [tilespmem:s17+$0xFFFFFFA0]  }
0xb6: {  	vm2 =	vgt.f32 v40, v23;
	v20 =	vsel vm3, v39, v20;
	v22 =	vsel vm3, s15, v22;
	v43 =	vld [tilespmem:s17+$0xFFFFFFB0]  }
0xb7: {  	v21 =	vsel vm4, v18, v21;
	vm3 =	vgt.f32 v19, v24;
	vm5 =	vgt.f32 v33, v25;
	v61 =	vld [tilespmem:s17+$0xFFFFFFC0]  }
0xb8: {  	v23 =	vsel vm2, v40, v23;
	v30 =	vsel vm4, s15, v30;
	v31 =	vsel vm2, s15, v31;
	v44 =	vld [tilespmem:s17+$0xFFFFFFD0]  }
0xb9: {  	v24 =	vsel vm3, v19, v24;
	v25 =	vsel vm5, v33, v25;
	vm6 =	vgt.f32 v26, v27;
	v62 =	vld [tilespmem:s17+$0xFFFFFFE0]  }
0xba: {  	v32 =	vsel vm3, s15, v32;
	v34 =	vsel vm5, s15, v34;
	vm7 =	vgt.f32 v37, v28;
	v63 =	vld [tilespmem:s17+$0xFFFFFFF0]  }
0xbb: {  	v27 =	vsel vm6, v26, v27;
	v35 =	vsel vm6, s15, v35;
	vm8 =	vgt.f32 v38, v29  }
0xbc: {  	s18 =	simm.s32 $0xA0F0;
	v45 =	vld [tilespmem:s17+$0x0];
	v28 =	vsel vm7, v37, v28;
	v36 =	vsel vm7, s15, v36;
	v29 =	vsel vm8, v38, v29  }
0xbd: {  	v39 =	vld [tilespmem:s18+$0xFFFFFF90];
	v17 =	vsel vm8, s15, v17;
	vm2 =	vgt.f32 v41, v20;
	vm3 =	vgt.f32 v42, v21  }
0xbe: {  	v18 =	vld [tilespmem:s18+$0xFFFFFFA0];
	vm4 =	vgt.f32 v43, v23;
	vm12 =	vgt.f32 v61, v24;
	vm13 =	vgt.f32 v44, v25  }
0xbf: {  	s16 =	simm.s32 $0x40;
	v40 =	vld [tilespmem:s18+$0xFFFFFFB0];
	vm14 =	vgt.f32 v62, v27;
	vm15 =	vgt.f32 v63, v28;
	v20 =	vsel vm2, v41, v20  }
0xc0: {  	v19 =	vld [tilespmem:s18+$0xFFFFFFC0];
	v22 =	vsel vm2, s16, v22;
	v21 =	vsel vm3, v42, v21;
	v23 =	vsel vm4, v43, v23  }
0xc1: {  	v33 =	vld [tilespmem:s18+$0xFFFFFFD0];
	v24 =	vsel vm12, v61, v24;
	v25 =	vsel vm13, v44, v25;
	vm2 =	vgt.f32 v45, v29  }
0xc2: {  	v26 =	vld [tilespmem:s18+$0xFFFFFFE0];
	v27 =	vsel vm14, v62, v27;
	v28 =	vsel vm15, v63, v28;
	v30 =	vsel vm3, s16, v30  }
0xc3: {  	v37 =	vld [tilespmem:s18+$0xFFFFFFF0];
	v31 =	vsel vm4, s16, v31;
	v32 =	vsel vm12, s16, v32;
	v34 =	vsel vm13, s16, v34  }
0xc4: {  	s17 =	simm.s32 $0xA170;
	s15 =	simm.s32 $0x41;
	v38 =	vld [tilespmem:s18+$0x0];
	s18 =	simm.s32 $0x42;
	v35 =	vsel vm14, s16, v35;
	v36 =	vsel vm15, s16, v36;
	v29 =	vsel vm2, v45, v29  }
.LBB2_13:
0xc5: {  	v41 =	vld [tilespmem:s17+$0xFFFFFF90];
	p0 =	sne.s32 s18, $0x7F;
	vm3 =	vgt.f32 v39, v20;
	vm4 =	vgt.f32 v18, v21;
	v17 =	vsel vm2, s16, v17;
	s16 =	smov.u32 s15;
	s15 =	smov.u32 s18  }
0xc6: {  	v20 =	vsel vm3, v39, v20;
	v22 =	vsel vm3, s16, v22;
	v21 =	vsel vm4, v18, v21;
	v18 =	vld [tilespmem:s17+$0xFFFFFFA0]  }
0xc7: {  	vm5 =	vgt.f32 v19, v24;
	vm3 =	vgt.f32 v40, v23;
	vm6 =	vgt.f32 v33, v25;
	v42 =	vld [tilespmem:s17+$0xFFFFFFB0]  }
.Ltmp6:
0xc8: {  	v24 =	vsel vm5, v19, v24;
	v23 =	vsel vm3, v40, v23;
	v25 =	vsel vm6, v33, v25;
	v19 =	vld [tilespmem:s17+$0xFFFFFFC0];
	(pc) =	sbr.rel @p0 .LBB2_13-.Ltmp6, $4  }
0xc9: {  	vm7 =	vgt.f32 v26, v27;
	vm8 =	vgt.f32 v37, v28;
	v33 =	vld [tilespmem:s17+$0xFFFFFFD0];
	vm2 =	vgt.f32 v38, v29  }
0xca: {  	v27 =	vsel vm7, v26, v27;
	v28 =	vsel vm8, v37, v28;
	v26 =	vld [tilespmem:s17+$0xFFFFFFE0];
	v29 =	vsel vm2, v38, v29;
	v39 =	vmovc v41  }
0xcb: {  	v30 =	vsel vm4, s16, v30;
	v32 =	vsel vm5, s16, v32;
	v31 =	vsel vm3, s16, v31;
	v37 =	vld [tilespmem:s17+$0xFFFFFFF0]  }
0xcc: {  	s18 =	sadd.s32 $0x1, s18;
	v34 =	vsel vm6, s16, v34;
	v35 =	vsel vm7, s16, v35;
	v36 =	vsel vm8, s16, v36;
	v38 =	vld [tilespmem:s17+$0x0];
	s17 =	sadd.s32 $0x80, s17;
	v40 =	vmovc v42  }
0xcd: {  	_ =	swait.ge [sflag:s29], $0x2000  }
0xce: {  	[sflag:s29] =	ssyncset.done $0x0  }
0xcf: {  	s17 =	simm.s32 $0x0;
	[sflag:s29] =	ssyncadd.s32 $0xFFFFE000  }
0xd0: {  	v41 =	vld [tilespmem:s17+$0xC000]  }
0xd1: {  	vm3 =	vgt.f32 v39, v20;
	vm4 =	vgt.f32 v18, v21;
	v17 =	vsel vm2, s16, v17;
	v44 =	vld [tilespmem:s17+$0xC010]  }
0xd2: {  	vm2 =	vgt.f32 v40, v23;
	v42 =	vsel vm3, v39, v20;
	v22 =	vsel vm3, s15, v22;
	v45 =	vld [tilespmem:s17+$0xC020]  }
0xd3: {  	v43 =	vsel vm4, v18, v21;
	vm3 =	vgt.f32 v19, v24;
	vm5 =	vgt.f32 v33, v25;
	v47 =	vld [tilespmem:s17+$0xC030]  }
0xd4: {  	v40 =	vsel vm2, v40, v23;
	v52 =	vsel vm4, s15, v30;
	v53 =	vsel vm2, s15, v31;
	v51 =	vld [tilespmem:s17+$0xC050]  }
0xd5: {  	v46 =	vsel vm3, v19, v24;
	v33 =	vsel vm5, v33, v25;
	vm6 =	vgt.f32 v26, v27;
	v31 =	vld [tilespmem:s17+$0xC060]  }
0xd6: {  	v54 =	vsel vm3, s15, v32;
	v19 =	vsel vm5, s15, v34;
	vm7 =	vgt.f32 v37, v28;
	v63 =	vld [tilespmem:s17+$0xC070]  }
0xd7: {  	v48 =	vld [tilespmem:s17+$0xC040];
	v49 =	vsel vm6, v26, v27;
	v20 =	vsel vm6, s15, v35;
	vm8 =	vgt.f32 v38, v29  }
0xd8: {  	s16 =	simm.s32 $0x80;
	v37 =	vsel vm7, v37, v28;
	v21 =	vsel vm7, s15, v36;
	v50 =	vsel vm8, v38, v29  }
0xd9: {  	v39 =	vld [tilespmem:s16+$0xC000];
	v17 =	vsel vm8, s15, v17;
	vm2 =	vgt.f32 v41, v42;
	vm6 =	vgt.f32 v44, v43  }
0xda: {  	v18 =	vld [tilespmem:s16+$0xC010];
	vm7 =	vgt.f32 v45, v40;
	vm15 =	vgt.f32 v47, v46;
	vm4 =	vgt.f32 v51, v49  }
0xdb: {  	s15 =	simm.s32 $0x80;
	v38 =	vld [tilespmem:s16+$0xC020];
	vm5 =	vgt.f32 v31, v37;
	vm3 =	vgt.f32 v63, v50;
	v23 =	vsel vm2, v41, v42  }
0xdc: {  	v36 =	vld [tilespmem:s16+$0xC040];
	v25 =	vsel vm2, s15, v22;
	v24 =	vsel vm6, v44, v43;
	vm2 =	vgt.f32 v48, v33  }
0xdd: {  	v29 =	vld [tilespmem:s16+$0xC050];
	v26 =	vsel vm7, v45, v40;
	v27 =	vsel vm15, v47, v46;
	v30 =	vsel vm4, v51, v49  }
0xde: {  	v22 =	vld [tilespmem:s16+$0xC030];
	v31 =	vsel vm5, v31, v37;
	v32 =	vsel vm3, v63, v50;
	v34 =	vsel vm7, s15, v53  }
0xdf: {  	s17 =	simm.s32 $0x400;
	v37 =	vld [tilespmem:s16+$0xC060];
	v35 =	vsel vm15, s15, v54;
	v28 =	vsel vm2, v48, v33;
	v33 =	vsel vm6, s15, v52  }
.LBB2_15:
0xe0: {  	p0 =	sne.s32 s17, $0x7E00;
	v40 =	vld [tilespmem:s16+$0xC070];
	s16 =	sshra.s32 s17, $0x2;
	v19 =	vsel vm2, s15, v19;
	v20 =	vsel vm4, s15, v20;
	v21 =	vsel vm5, s15, v21;
	v41 =	vmovc v38  }
0xe1: {  	vm2 =	vgt.f32 v39, v23;
	vm6 =	vgt.f32 v18, v24;
	v17 =	vsel vm3, s15, v17;
	s15 =	sadd.s32 $0x1, s15;
	v42 =	vld [tilespmem:s16+$0xC000]  }
0xe2: {  	v23 =	vsel vm2, v39, v23;
	v25 =	vsel vm2, s15, v25;
	v24 =	vsel vm6, v18, v24;
	v18 =	vld [tilespmem:s16+$0xC010]  }
.Ltmp7:
0xe3: {  	vm7 =	vgt.f32 v41, v26;
	vm8 =	vgt.f32 v22, v27;
	vm2 =	vgt.f32 v36, v28;
	v38 =	vld [tilespmem:s16+$0xC020];
	(pc) =	sbr.rel @p0 .LBB2_15-.Ltmp7, $4  }
0xe4: {  	v26 =	vsel vm7, v41, v26;
	v27 =	vsel vm8, v22, v27;
	v28 =	vsel vm2, v36, v28;
	v22 =	vld [tilespmem:s16+$0xC030]  }
0xe5: {  	vm4 =	vgt.f32 v29, v30;
	vm5 =	vgt.f32 v37, v31;
	v36 =	vld [tilespmem:s16+$0xC040];
	vm3 =	vgt.f32 v40, v32  }
0xe6: {  	v30 =	vsel vm4, v29, v30;
	v31 =	vsel vm5, v37, v31;
	v29 =	vld [tilespmem:s16+$0xC050];
	v32 =	vsel vm3, v40, v32;
	v39 =	vmovc v42  }
0xe7: {  	s17 =	sadd.s32 $0x200, s17;
	v33 =	vsel vm6, s15, v33;
	v34 =	vsel vm7, s15, v34;
	v35 =	vsel vm8, s15, v35;
	v37 =	vld [tilespmem:s16+$0xC060]  }
0xe8: {  	v40 =	vld [tilespmem:s16+$0xC070];
	_ =	swait.ge [sflag:s30], $0x2000  }
0xe9: {  	[sflag:s30] =	ssyncset.done $0x0  }
0xea: {  	s17 =	simm.s32 $0x0;
	[sflag:s30] =	ssyncadd.s32 $0xFFFFE000  }
0xeb: {  	v19 =	vsel vm2, s15, v19;
	v41 =	vsel vm4, s15, v20;
	vm4 =	vgt.f32 v18, v24;
	v43 =	vld [tilespmem:s17+$0xE000]  }
0xec: {  	v42 =	vsel vm5, s15, v21;
	vm2 =	vgt.f32 v39, v23;
	v18 =	vsel vm4, v18, v24;
	v24 =	vld [tilespmem:s17+$0xE010]  }
0xed: {  	v17 =	vsel vm3, s15, v17;
	vm3 =	vgt.f32 v22, v27;
	vm5 =	vgt.f32 v36, v28;
	v44 =	vld [tilespmem:s17+$0xE020]  }
0xee: {  	s18 =	sadd.s32 $0x1, s15;
	v23 =	vsel vm2, v39, v23;
	v22 =	vsel vm3, v22, v27;
	v27 =	vsel vm5, v36, v28;
	v28 =	vld [tilespmem:s17+$0xE030]  }
0xef: {  	v25 =	vsel vm2, s18, v25;
	vm2 =	vgt.f32 v38, v26;
	v49 =	vsel vm4, s18, v33;
	v48 =	vld [tilespmem:s17+$0xE050]  }
0xf0: {  	v26 =	vsel vm2, v38, v26;
	v50 =	vsel vm2, s18, v34;
	v51 =	vsel vm3, s18, v35;
	v52 =	vld [tilespmem:s17+$0xE060]  }
0xf1: {  	vm6 =	vgt.f32 v29, v30;
	v20 =	vsel vm5, s18, v19;
	v19 =	vld [tilespmem:s17+$0xE070];
	vm7 =	vgt.f32 v37, v31  }
0xf2: {  	v45 =	vld [tilespmem:s17+$0xE040];
	v46 =	vsel vm6, v29, v30;
	v21 =	vsel vm6, s18, v41;
	vm8 =	vgt.f32 v40, v32  }
0xf3: {  	s16 =	simm.s32 $0x80;
	v47 =	vsel vm7, v37, v31;
	v33 =	vsel vm7, s18, v42;
	v40 =	vsel vm8, v40, v32  }
0xf4: {  	v39 =	vld [tilespmem:s16+$0xE000];
	v34 =	vsel vm8, s18, v17;
	vm2 =	vgt.f32 v43, v23;
	vm6 =	vgt.f32 v24, v18  }
0xf5: {  	v35 =	vld [tilespmem:s16+$0xE010];
	vm7 =	vgt.f32 v44, v26;
	vm15 =	vgt.f32 v28, v22;
	vm4 =	vgt.f32 v48, v46  }
0xf6: {  	s15 =	simm.s32 $0xC0;
	v32 =	vld [tilespmem:s16+$0xE020];
	vm5 =	vgt.f32 v52, v47;
	vm3 =	vgt.f32 v19, v40;
	v36 =	vsel vm2, v43, v23  }
0xf7: {  	v29 =	vld [tilespmem:s16+$0xE030];
	v38 =	vsel vm2, s15, v25;
	v37 =	vsel vm6, v24, v18;
	vm2 =	vgt.f32 v45, v27  }
0xf8: {  	v31 =	vsel vm7, v44, v26;
	v30 =	vsel vm15, v28, v22;
	v28 =	vld [tilespmem:s16+$0xE040];
	v23 =	vsel vm4, v48, v46  }
0xf9: {  	v22 =	vld [tilespmem:s16+$0xE050];
	v18 =	vsel vm5, v52, v47;
	v17 =	vsel vm3, v19, v40;
	v26 =	vsel vm6, s15, v49  }
0xfa: {  	s17 =	simm.s32 $0x400;
	v19 =	vld [tilespmem:s16+$0xE060];
	v25 =	vsel vm7, s15, v50;
	v24 =	vsel vm15, s15, v51;
	v27 =	vsel vm2, v45, v27  }
.LBB2_17:
0xfb: {  	p0 =	sne.s32 s17, $0x7E00;
	v40 =	vld [tilespmem:s16+$0xE070];
	s16 =	sshra.s32 s17, $0x2;
	v20 =	vsel vm2, s15, v20;
	v21 =	vsel vm4, s15, v21;
	v33 =	vsel vm5, s15, v33;
	v41 =	vmovc v32  }
0xfc: {  	vm2 =	vgt.f32 v39, v36;
	vm6 =	vgt.f32 v35, v37;
	v34 =	vsel vm3, s15, v34;
	s15 =	sadd.s32 $0x1, s15;
	v42 =	vld [tilespmem:s16+$0xE000]  }
0xfd: {  	v36 =	vsel vm2, v39, v36;
	v38 =	vsel vm2, s15, v38;
	v37 =	vsel vm6, v35, v37;
	v35 =	vld [tilespmem:s16+$0xE010]  }
.Ltmp8:
0xfe: {  	vm7 =	vgt.f32 v41, v31;
	vm8 =	vgt.f32 v29, v30;
	vm2 =	vgt.f32 v28, v27;
	v32 =	vld [tilespmem:s16+$0xE020];
	(pc) =	sbr.rel @p0 .LBB2_17-.Ltmp8, $4  }
0xff: {  	v31 =	vsel vm7, v41, v31;
	v30 =	vsel vm8, v29, v30;
	v27 =	vsel vm2, v28, v27;
	v29 =	vld [tilespmem:s16+$0xE030]  }
0x100: {  	vm4 =	vgt.f32 v22, v23;
	vm5 =	vgt.f32 v19, v18;
	v28 =	vld [tilespmem:s16+$0xE040];
	vm3 =	vgt.f32 v40, v17  }
0x101: {  	v23 =	vsel vm4, v22, v23;
	v18 =	vsel vm5, v19, v18;
	v22 =	vld [tilespmem:s16+$0xE050];
	v17 =	vsel vm3, v40, v17;
	v39 =	vmovc v42  }
0x102: {  	s17 =	sadd.s32 $0x200, s17;
	v26 =	vsel vm6, s15, v26;
	v25 =	vsel vm7, s15, v25;
	v24 =	vsel vm8, s15, v24;
	v19 =	vld [tilespmem:s16+$0xE060]  }
0x103: {  	v40 =	vsel vm2, s15, v20;
	v41 =	vsel vm4, s15, v21;
	v21 =	vsel vm5, s15, v33  }
0x104: {  	vm10 =	vgt.f32 v39, v36;
	vm2 =	vgt.f32 v35, v37;
	v20 =	vsel vm3, s15, v34  }
0x105: {  	v14 =	vshll.u32 v14, $0x7;
	v16 =	vshll.u32 v16, $0x7;
	v50 =	vor.u32 $0x10, v0  }
0x106: {  	vm3 =	vgt.f32 v32, v31;
	vm6 =	veq.f32 v12, v10;
	vm11 =	vgt.f32 v12, v10  }
0x107: {  	v15 =	vshll.u32 v15, $0x7;
	v13 =	vshll.u32 v13, $0x7;
	v54 =	vor.u32 $0x30, v0  }
0x108: {  	v11 =	vshll.u32 v11, $0x7;
	v59 =	vor.u32 $0x40, v0;
	v8 =	vshll.u32 v8, $0x7  }
0x109: {  	v5 =	vshll.u32 v5, $0x7;
	v47 =	vor.u32 $0x60, v0;
	v3 =	vshll.u32 v3, $0x7  }
0x10a: {  	s18 =	sadd.s32 $0x1, s15;
	v33 =	vsel vm10, v39, v36;
	v14 =	vor.u32 v0, v14;
	v16 =	vor.u32 v50, v16  }
0x10b: {  	v49 =	vsel vm10, s18, v38;
	v35 =	vsel vm2, v35, v37;
	vm7 =	vlt.s32 v16, v14  }
0x10c: {  	vm4 =	vgt.f32 v29, v30;
	v37 =	vor.u32 $0x20, v0;
	vm6 =	vmand vm6, vm7  }
0x10d: {  	v57 =	vor.u32 v54, v13;
	v62 =	vor.u32 v59, v11;
	vm6 =	vmor vm11, vm6  }
0x10e: {  	v53 =	vor.u32 v37, v15;
	v51 =	vsel vm6, v12, v10;
	v52 =	vsel vm6, v16, v14  }
0x10f: {  	v38 =	vsel vm3, s18, v25;
	vm12 =	veq.f32 v9, v51;
	vm13 =	vlt.s32 v53, v52  }
0x110: {  	v5 =	vor.u32 v47, v5;
	vm8 =	vgt.f32 v9, v51;
	vm6 =	vmand vm12, vm13  }
0x111: {  	vm5 =	vgt.f32 v28, v27;
	v15 =	vsel vm3, v32, v31;
	vm6 =	vmor vm8, vm6  }
0x112: {  	v42 =	vsel vm4, s18, v24;
	v55 =	vsel vm6, v9, v51;
	v56 =	vsel vm6, v53, v52  }
0x113: {  	v48 =	vshll.u32 v49, $0x7;
	vm14 =	veq.f32 v7, v55;
	vm15 =	vlt.s32 v57, v56  }
0x114: {  	v63 =	vld [tilespmem:s16+$0xE070];
	v58 =	vsel vm5, v28, v27;
	vm9 =	vgt.f32 v7, v55;
	vm6 =	vmand vm14, vm15  }
0x115: {  	v28 =	vsel vm2, s18, v26;
	v43 =	vsel vm5, s18, v40;
	vm6 =	vmor vm9, vm6  }
0x116: {  	vm2 =	vgt.f32 v19, v18;
	v60 =	vsel vm6, v7, v55;
	v61 =	vsel vm6, v57, v56  }
0x117: {  	v16 =	vsel vm4, v29, v30;
	vm10 =	veq.f32 v6, v60;
	vm11 =	vlt.s32 v62, v61  }
0x118: {  	v30 =	vor.u32 $0x50, v0;
	vm12 =	vgt.f32 v6, v60;
	vm6 =	vmand vm10, vm11  }
0x119: {  	vm3 =	vgt.f32 v63, v17;
	v12 =	vshll.u32 v28, $0x7;
	vm6 =	vmor vm12, vm6  }
0x11a: {  	v8 =	vor.u32 v30, v8;
	v31 =	vsel vm6, v6, v60;
	v32 =	vsel vm6, v62, v61  }
0x11b: {  	v12 =	vor.u32 v50, v12;
	vm13 =	veq.f32 v4, v31;
	vm14 =	vlt.s32 v8, v32  }
0x11c: {  	vm8 =	vgt.f32 v22, v23;
	vm15 =	vgt.f32 v4, v31;
	vm6 =	vmand vm13, vm14  }
0x11d: {  	v50 =	vshll.u32 v38, $0x7;
	v39 =	vsel vm8, v22, v23;
	vm9 =	vmor vm15, vm6  }
0x11e: {  	vm13 =	veq.f32 v35, v33;
	v45 =	vsel vm9, v4, v31;
	v46 =	vsel vm9, v8, v32  }
0x11f: {  	v8 =	vor.u32 v0, v48;
	vm11 =	veq.f32 v2, v45;
	vm12 =	vlt.s32 v5, v46  }
0x120: {  	vm10 =	vgt.f32 v2, v45;
	vm14 =	vlt.s32 v12, v8;
	vm5 =	vmand vm11, vm12  }
0x121: {  	vm15 =	vgt.f32 v35, v33;
	vm4 =	vmor vm10, vm5;
	vm5 =	vmand vm13, vm14  }
0x122: {  	v44 =	vsel vm8, s18, v41;
	v49 =	vsel vm4, v5, v46;
	vm9 =	vmor vm15, vm5  }
0x123: {  	v5 =	vor.u32 v37, v50;
	v51 =	vsel vm9, v35, v33;
	v8 =	vsel vm9, v12, v8  }
0x124: {  	v52 =	vor.u32 $0x70, v0;
	vm10 =	veq.f32 v15, v51;
	vm11 =	vlt.s32 v5, v8  }
0x125: {  	v2 =	vsel vm4, v2, v45;
	vm12 =	vgt.f32 v15, v51;
	vm4 =	vmand vm10, vm11  }
0x126: {  	v53 =	vshll.u32 v42, $0x7;
	v3 =	vor.u32 v52, v3;
	vm4 =	vmor vm12, vm4  }
0x127: {  	v54 =	vor.u32 v54, v53;
	v6 =	vsel vm4, v15, v51;
	v5 =	vsel vm4, v5, v8  }
0x128: {  	v55 =	vshll.u32 v43, $0x7;
	vm13 =	veq.f32 v16, v6;
	vm14 =	vlt.s32 v54, v5  }
0x129: {  	v56 =	vor.u32 v59, v55;
	vm12 =	vgt.f32 v16, v6;
	vm5 =	vmand vm13, vm14  }
0x12a: {  	vm15 =	veq.f32 v1, v2;
	vm4 =	vgt.f32 v1, v2;
	vm5 =	vmor vm12, vm5  }
0x12b: {  	vm13 =	vlt.s32 v3, v49;
	v6 =	vsel vm5, v16, v6;
	v5 =	vsel vm5, v54, v5  }
0x12c: {  	vm14 =	vmand vm15, vm13;
	vm15 =	veq.f32 v58, v6;
	vm9 =	vlt.s32 v56, v5  }
0x12d: {  	vm4 =	vmor vm4, vm14;
	vm10 =	vgt.f32 v58, v6;
	vm6 =	vmand vm15, vm9  }
0x12e: {  	v1 =	vsel vm4, v1, v2;
	v2 =	vshll.u32 v44, $0x7;
	vm5 =	vmor vm10, vm6  }
0x12f: {  	(xrf0) =	vmax.scan.msk.f32 $0xffff, v1;
	v2 =	vor.u32 v30, v2;
	v6 =	vsel vm5, v58, v6;
	v5 =	vsel vm5, v56, v5  }
0x130: {  	v57 =	vsel vm2, v19, v18;
	vm11 =	veq.f32 v39, v6;
	vm12 =	vlt.s32 v2, v5  }
0x131: {  	v58 =	vsel vm2, s18, v21;
	vm2 =	vgt.f32 v39, v6;
	vm5 =	vmand vm11, vm12  }
0x132: {  	v11 =	vsel vm3, v63, v17;
	v12 =	vshll.u32 v58, $0x7;
	vm2 =	vmor vm2, vm5  }
0x133: {  	v59 =	vor.u32 v47, v12;
	v6 =	vsel vm2, v39, v6;
	v2 =	vsel vm2, v2, v5  }
0x134: {  	v60 =	vsel vm3, s18, v20;
	vm2 =	veq.f32 v57, v6;
	vm3 =	vlt.s32 v59, v2  }
0x135: {  	v7 =	vshll.u32 v60, $0x7;
	v61, _, _ =	vpop (xrf0);
	vm13 =	vgt.f32 v57, v6;
	vm2 =	vmand vm2, vm3  }
0x136: {  	v62 =	vor.u32 v52, v7;
	v4 =	vbroadcast v61, $0xF;
	vm2 =	vmor vm13, vm2  }
0x137: {  	v3 =	vsel vm4, v3, v49;
	v6 =	vsel vm2, v57, v6;
	v2 =	vsel vm2, v59, v2  }
0x138: {  	vm2 =	veq.f32 v1, v4;
	vm3 =	veq.f32 v11, v6;
	vm14 =	vlt.s32 v62, v2  }
0x139: {  	v1 =	vxor.u32 $0x80000000, v3;
	vm15 =	vgt.f32 v11, v6;
	vm3 =	vmand vm3, vm14  }
0x13a: {  	v1 =	vnsel vm2, $0xFFFFFFFF, v1;
	vm2 =	vmor vm15, vm3  }
0x13b: {  	(xrf0) =	vmin.scan.msk.u32 $0xffff, v1;
	v1 =	vsel vm2, v11, v6  }
0x13c: {  	(xrf0) =	vmax.scan.msk.f32 $0xffff, v1;
	_ =	sdelay $0x4  }
0x13d: {  	v3, _, _ =	vpop (xrf0)  }
0x13e: {  	v63, _, _ =	vpop (xrf0)  }
0x13f: {  	v4 =	vbroadcast v63, $0xF  }
0x140: {  	v2 =	vsel vm2, v62, v2  }
0x141: {  	vm2 =	veq.f32 v1, v4;
	v1 =	vxor.u32 $0x80000000, v2  }
0x142: {  	v1 =	vnsel vm2, $0xFFFFFFFF, v1  }
0x143: {  	(xrf0) =	vmin.scan.msk.u32 $0xffff, v1;
	_ =	sdelay $0x4  }
0x144: {  	(v2sf) =	vpush v3, $0xF  }
0x145: {  	v1, _, _ =	vpop (xrf0)  }
0x146: {  	(v2sf) =	vpush v1, $0xF;
	_ =	sdelay $0xc  }
0x147: {  	s16 =	spop (v2sf)  }
0x148: {  	s15 =	sxor.u32 $0x80000000, s16  }
0x149: {  	v1 =	vmov s15;
	s17 =	spop (v2sf)  }
0x14a: {  	s1 =	sadd.s32 $0x1, s1;
	v1 =	vnsel vm0, $0x0, v1;
	s18 =	sxor.u32 $0x80000000, s17  }
0x14b: {  	p0 =	sne.s32 s1, s12;
	v1 =	vsel vm1, s18, v1  }
.Ltmp9:
0x14c: {  	[tilespmem:$0x10000] =	vst v1;
	(pc) =	sbr.rel @p0 .LBB2_2-.Ltmp9, $4  }
0x14d: {  	[hbm4b:s3+s2] =	stream.linear.scatter [tilespmem:s31], [sflag:$0x9], $0x80, $0x38;
	[tilespmem:$0x10080] =	vst v63  }
0x14e: {  	_ =	swait.ge [sflag:s0], $0x80  }
0x14f: {  	[sflag:s0] =	ssyncset.done $0x0  }
0x150: {  	[sflag:s0] =	ssyncadd.s32 $0xFFFFFF80  }
.LBB2_19:
0x151: {  	_ =	sfence.sel $0x180000  }
0x152: {  	[bflag:$0x0] =	sbarrier.arrive $0xFFFF  }
0x153: {  	_ =	strace $0x90000047  }
0x154: {  	s0 =	stileid.u32;
	[bflag:$0x2] =	sbarrier.arrive $0xFFFF  }
0x155: {  	p0 =	sne.s32 s0, $0x0;
	s0 =	rddreg [dreg:$0x2]  }
0x156: {  	s0 =	sadd.s32 @!p0 $0x100000, s0  }
0x157: {  	[sflag:s0] =	ssyncadd.tile.s32 @!p0 $0x1;
	_ =	shalt  }
.Lfunc_end2:
_tile_overlayer_lowered:
.L_overlay_start_2:
0x158: {  	(tag) =	ssettag $0x2  }
0x159: {  	s0 =	rddreg [dreg:$0x0];
	s2 =	stileid.u32  }
0x15a: {  	s1 =	rddreg [dreg:$0x1];
	p0 =	sne.s32 s2, $0x0  }
0x15b: {  	s3 =	rddreg [dreg:$0x2];
	[bflag:$0x3] =	sbarrier.arrive $0xFFFF;
	s2 =	simm.s32 @!p0 $0x1C09  }
0x15c: {  	[timem:s3], [sflag:s2] =	dma.local @!p0 [hbm:s0], s1  }
0x15d: {  	s0 =	simm.s32 @!p0 $0x9  }
0x15e: {  	_ =	swait.ge @!p0 [sflag:s0], s1  }
0x15f: {  	s1 =	ssub.s32 @!p0 $0x0, s1;
	[sflag:s0] =	ssyncset.done @!p0 $0x0  }
0x160: {  	[sflag:s0] =	ssyncadd.s32 @!p0 s1  }
0x161: {  	[bflag:$0x3] =	sbarrier.arrive $0xFFFF  }
0x162: {  	_ =	shalt  }

</sc_bundles>
